<compile_context>
chip_gen: v7x
topology: tpu7x:2x2x1
jax: 0.10.2.dev20260603
libtpu: 0.0.44.dev20260713+nightly
codegen_flags: <defaults>
</compile_context>

<pallas_src>
import functools

import jax
import jax.numpy as jnp
from jax import lax
from jax.experimental import pallas as pl
from jax.experimental.pallas import tpu as pltpu
from jax.experimental.pallas import tpu_sc as plsc

_B, _N, _D = 4096, 200, 64
_NC, _NS = 2, 16
_NW = _NC * _NS
_BLK = 128
_PAD = 137
_NBLK = _N


def _embed_lookup(tokens_t, weight):
    mesh = plsc.VectorSubcoreMesh(core_axis_name="c", subcore_axis_name="s")

    @functools.partial(
        pl.kernel,
        mesh=mesh,
        compiler_params=pltpu.CompilerParams(use_tc_tiling_on_sc=False,
                                             needs_layout_passes=False),
        out_type=jax.ShapeDtypeStruct((_N, _D // 8, _B // _BLK, 8, _BLK),
                                      jnp.float32),
        scratch_types=[
            pltpu.VMEM((_N, _BLK), jnp.int32),
            pltpu.VMEM((_BLK, _D), jnp.float32),
            pltpu.VMEM((_BLK, _D), jnp.float32),
            pltpu.VMEM((8, 8, _PAD), jnp.float32),
            pltpu.VMEM((8, 8, _PAD), jnp.float32),
            pltpu.SemaphoreType.DMA,
            pltpu.SemaphoreType.DMA,
            pltpu.SemaphoreType.DMA,
            pltpu.SemaphoreType.DMA,
        ],
    )
    def k(idx_hbm, table_hbm, out_hbm, idx_v, st0, st1, ob0, ob1,
          g0, g1, s0, s1):
        stage = [st0, st1]
        obuf = [ob0, ob1]
        gsem = [g0, g1]
        ssem = [s0, s1]
        wid = lax.axis_index("s") * _NC + lax.axis_index("c")

        pltpu.sync_copy(idx_hbm.at[:, pl.ds(wid * _BLK, _BLK)], idx_v)

        lane = lax.iota(jnp.int32, 16)

        def start_g(n, p):
            pltpu.async_copy(table_hbm.at[idx_v.at[n]], stage[p], gsem[p])

        def wait_g(p):
            pltpu.make_async_copy(table_hbm.at[idx_v.at[0]], stage[p],
                                  gsem[p]).wait()

        def start_s(n, p):
            pltpu.async_copy(obuf[p].at[:, :, pl.ds(0, _BLK)],
                             out_hbm.at[n, :, wid], ssem[p])

        def wait_s(p):
            pltpu.make_async_copy(obuf[p].at[:, :, pl.ds(0, _BLK)],
                                  out_hbm.at[0, :, wid], ssem[p]).wait()

        dts = [lax.shift_right_logical(lane + 16 * j, 3) for j in range(8)]
        rs = [lax.bitwise_and(lane + 16 * j, 7) for j in range(8)]

        def transpose(p):
            @plsc.parallel_loop(0, _BLK, unroll=4)
            def _(c):
                cb = lax.broadcast(c, (16,))
                for j in range(4):
                    vals = stage[p][c, pl.ds(j * 16, 16)]
                    plsc.store_scatter(obuf[p], [dts[j], rs[j], cb], vals)

        start_g(0, 0)
        start_g(1, 1)

        def body(kk, carry):
            for p in range(2):
                n = 2 * kk + p
                wait_g(p)

                @pl.when(kk >= 1)
                def _():
                    wait_s(p)

                transpose(p)
                start_s(n, p)

                @pl.when(kk <= _NBLK // 2 - 2)
                def _():
                    start_g(n + 2, p)
            return carry

        lax.fori_loop(0, _NBLK // 2, body, 0)

        for p in range(2):
            wait_s(p)

    return k(tokens_t, weight)


def kernel(tokens, weight):
    tokens_t = jnp.swapaxes(tokens, 0, 1).astype(jnp.int32)
    out5 = _embed_lookup(tokens_t, weight)
    return out5.transpose(2, 4, 0, 1, 3).reshape(_B, _N, _D)

# --- scband reference (transcript-rebuilt; emitter-appended) ---
"""Pipeline reference for scband-embedding-13451837571230 (READ-ONLY COPY).

The authoritative reference and input builder live on the scoring server;
editing this copy changes nothing except your own understanding.
"""

import jax, jax.numpy as jnp
import numpy as np

NUM_EMBEDDINGS = 1000000
EMBEDDING_DIM = 64
B, N = 4096, 200

def setup_inputs(seed: int = 0) -> dict:
    key = jax.random.key(seed)
    k1, k2 = jax.random.split(key)
    tokens = jax.random.randint(k1, (B, N), 0, NUM_EMBEDDINGS, dtype=jnp.int64 if jax.config.jax_enable_x64 else jnp.int32)
    weight = jax.random.normal(k2, (NUM_EMBEDDINGS, EMBEDDING_DIM), dtype=jnp.float32)
    return {"tokens": tokens, "weight": weight}

def reference(tokens, weight):
    # Embedding forward: output[b, n, :] = weight[tokens[b, n], :]
    return jnp.take(weight, tokens, axis=0)

if __name__ == "__main__":
    import jax
    _d = setup_inputs()
    print(jax.jit(kernel)(*tuple(_d.values())))

</pallas_src>

<mosaic_0001>
#map = affine_map<(d0, d1) -> (0, 0)>
#map1 = affine_map<(d0, d1) -> (0, 0, 0, 0, 0)>
module attributes {stable_mosaic.version = 14 : i64} {
  func.func @k(%arg0: i32, %arg1: i32, %arg2: memref<200x4096xi32, #tpu.memory_space<hbm>>, %arg3: memref<1000000x64xf32, #tpu.memory_space<hbm>>, %arg4: memref<200x8x32x8x128xf32, #tpu.memory_space<hbm>>, %arg5: memref<200x128xi32, #tpu.memory_space<vmem>>, %arg6: memref<128x64xf32, #tpu.memory_space<vmem>>, %arg7: memref<128x64xf32, #tpu.memory_space<vmem>>, %arg8: memref<8x8x137xf32, #tpu.memory_space<vmem>>, %arg9: memref<8x8x137xf32, #tpu.memory_space<vmem>>, %arg10: memref<!tpu.dma_semaphore, #tpu.memory_space<semaphore_mem>>, %arg11: memref<!tpu.dma_semaphore, #tpu.memory_space<semaphore_mem>>, %arg12: memref<!tpu.dma_semaphore, #tpu.memory_space<semaphore_mem>>, %arg13: memref<!tpu.dma_semaphore, #tpu.memory_space<semaphore_mem>>) attributes {dimension_semantics = [#tpu.dimension_semantics<core_parallel>, #tpu.dimension_semantics<subcore_parallel>], iteration_bounds = array<i64: 2, 16>, scalar_prefetch = 0 : i64, scratch_operands = 9 : i64, tpu.core_type = #tpu.core_type<sc_vector_subcore>, window_params = [{transform_indices = #map}, {transform_indices = #map}, {transform_indices = #map1}]} {
    %mul3A = arith.constant 2 : i32
    %mul3A_0 = arith.muli %arg1, %mul3A : i32
    %add3A = arith.addi %mul3A_0, %arg0 : i32
    %mul3A_1 = arith.constant 128 : i32
    %mul3A_2 = arith.muli %add3A, %mul3A_1 : i32
    "tpu.region"() ({
      %run_scoped3A = tpu.sem_alloc : memref<!tpu.dma_semaphore, #tpu.memory_space<semaphore_mem>>
      %dma_start3A_152 = arith.constant 0 : i32
      %dma_start3A_153 = tpu.memref_slice %arg2[%dma_start3A_152, %mul3A_2] : memref<200x4096xi32, #tpu.memory_space<hbm>> -> memref<200x128xi32, #tpu.memory_space<hbm>>
      %dma_start3A_154 = arith.constant 0 : i32
      %dma_start3A_155 = tpu.memref_slice %arg2[%dma_start3A_154, %mul3A_2] : memref<200x4096xi32, #tpu.memory_space<hbm>> -> memref<200x128xi32, #tpu.memory_space<hbm>>
      tpu.enqueue_dma source(%dma_start3A_155 : memref<200x128xi32, #tpu.memory_space<hbm>>) target(%arg5 : memref<200x128xi32, #tpu.memory_space<vmem>>) target_semaphore(%run_scoped3A : memref<!tpu.dma_semaphore, #tpu.memory_space<semaphore_mem>>)
      %dma_wait3A_156 = arith.constant 0 : i32
      %dma_wait3A_157 = tpu.memref_slice %arg2[%dma_wait3A_156, %mul3A_2] : memref<200x4096xi32, #tpu.memory_space<hbm>> -> memref<200x128xi32, #tpu.memory_space<hbm>>
      %dma_wait3A_158 = arith.constant 0 : i32
      %dma_wait3A_159 = tpu.memref_slice %arg2[%dma_wait3A_158, %mul3A_2] : memref<200x4096xi32, #tpu.memory_space<hbm>> -> memref<200x128xi32, #tpu.memory_space<hbm>>
      tpu.wait_dma2 semaphore(%run_scoped3A : memref<!tpu.dma_semaphore, #tpu.memory_space<semaphore_mem>>) src(%dma_wait3A_159 : memref<200x128xi32, #tpu.memory_space<hbm>>) dst(%arg5 : memref<200x128xi32, #tpu.memory_space<vmem>>)
      tpu.yield
    }) : () -> ()
    %iota3A = tpu.iota {dimensions = array<i32: 0>} : vector<16xi32>
    %add3A_3 = arith.constant 0 : i32
    %add3A_4 = vector.broadcast %add3A_3 : i32 to vector<16xi32>
    %add3A_5 = arith.addi %iota3A, %add3A_4 : vector<16xi32>
    %shift_right_logical3A = arith.constant 3 : i32
    %shift_right_logical3A_6 = vector.broadcast %shift_right_logical3A : i32 to vector<16xi32>
    %shift_right_logical3A_7 = arith.shrui %add3A_5, %shift_right_logical3A_6 : vector<16xi32>
    %add3A_8 = arith.constant 16 : i32
    %add3A_9 = vector.broadcast %add3A_8 : i32 to vector<16xi32>
    %add3A_10 = arith.addi %iota3A, %add3A_9 : vector<16xi32>
    %shift_right_logical3A_11 = arith.constant 3 : i32
    %shift_right_logical3A_12 = vector.broadcast %shift_right_logical3A_11 : i32 to vector<16xi32>
    %shift_right_logical3A_13 = arith.shrui %add3A_10, %shift_right_logical3A_12 : vector<16xi32>
    %add3A_14 = arith.constant 32 : i32
    %add3A_15 = vector.broadcast %add3A_14 : i32 to vector<16xi32>
    %add3A_16 = arith.addi %iota3A, %add3A_15 : vector<16xi32>
    %shift_right_logical3A_17 = arith.constant 3 : i32
    %shift_right_logical3A_18 = vector.broadcast %shift_right_logical3A_17 : i32 to vector<16xi32>
    %shift_right_logical3A_19 = arith.shrui %add3A_16, %shift_right_logical3A_18 : vector<16xi32>
    %add3A_20 = arith.constant 48 : i32
    %add3A_21 = vector.broadcast %add3A_20 : i32 to vector<16xi32>
    %add3A_22 = arith.addi %iota3A, %add3A_21 : vector<16xi32>
    %shift_right_logical3A_23 = arith.constant 3 : i32
    %shift_right_logical3A_24 = vector.broadcast %shift_right_logical3A_23 : i32 to vector<16xi32>
    %shift_right_logical3A_25 = arith.shrui %add3A_22, %shift_right_logical3A_24 : vector<16xi32>
    %add3A_26 = arith.constant 64 : i32
    %add3A_27 = vector.broadcast %add3A_26 : i32 to vector<16xi32>
    %add3A_28 = arith.addi %iota3A, %add3A_27 : vector<16xi32>
    %shift_right_logical3A_29 = arith.constant 3 : i32
    %shift_right_logical3A_30 = vector.broadcast %shift_right_logical3A_29 : i32 to vector<16xi32>
    %shift_right_logical3A_31 = arith.shrui %add3A_28, %shift_right_logical3A_30 : vector<16xi32>
    %add3A_32 = arith.constant 80 : i32
    %add3A_33 = vector.broadcast %add3A_32 : i32 to vector<16xi32>
    %add3A_34 = arith.addi %iota3A, %add3A_33 : vector<16xi32>
    %shift_right_logical3A_35 = arith.constant 3 : i32
    %shift_right_logical3A_36 = vector.broadcast %shift_right_logical3A_35 : i32 to vector<16xi32>
    %shift_right_logical3A_37 = arith.shrui %add3A_34, %shift_right_logical3A_36 : vector<16xi32>
    %add3A_38 = arith.constant 96 : i32
    %add3A_39 = vector.broadcast %add3A_38 : i32 to vector<16xi32>
    %add3A_40 = arith.addi %iota3A, %add3A_39 : vector<16xi32>
    %shift_right_logical3A_41 = arith.constant 3 : i32
    %shift_right_logical3A_42 = vector.broadcast %shift_right_logical3A_41 : i32 to vector<16xi32>
    %shift_right_logical3A_43 = arith.shrui %add3A_40, %shift_right_logical3A_42 : vector<16xi32>
    %add3A_44 = arith.constant 112 : i32
    %add3A_45 = vector.broadcast %add3A_44 : i32 to vector<16xi32>
    %add3A_46 = arith.addi %iota3A, %add3A_45 : vector<16xi32>
    %shift_right_logical3A_47 = arith.constant 3 : i32
    %shift_right_logical3A_48 = vector.broadcast %shift_right_logical3A_47 : i32 to vector<16xi32>
    %shift_right_logical3A_49 = arith.shrui %add3A_46, %shift_right_logical3A_48 : vector<16xi32>
    %add3A_50 = arith.constant 0 : i32
    %add3A_51 = vector.broadcast %add3A_50 : i32 to vector<16xi32>
    %add3A_52 = arith.addi %iota3A, %add3A_51 : vector<16xi32>
    %and3A = arith.constant 7 : i32
    %and3A_53 = vector.broadcast %and3A : i32 to vector<16xi32>
    %and3A_54 = arith.andi %add3A_52, %and3A_53 : vector<16xi32>
    %add3A_55 = arith.constant 16 : i32
    %add3A_56 = vector.broadcast %add3A_55 : i32 to vector<16xi32>
    %add3A_57 = arith.addi %iota3A, %add3A_56 : vector<16xi32>
    %and3A_58 = arith.constant 7 : i32
    %and3A_59 = vector.broadcast %and3A_58 : i32 to vector<16xi32>
    %and3A_60 = arith.andi %add3A_57, %and3A_59 : vector<16xi32>
    %add3A_61 = arith.constant 32 : i32
    %add3A_62 = vector.broadcast %add3A_61 : i32 to vector<16xi32>
    %add3A_63 = arith.addi %iota3A, %add3A_62 : vector<16xi32>
    %and3A_64 = arith.constant 7 : i32
    %and3A_65 = vector.broadcast %and3A_64 : i32 to vector<16xi32>
    %and3A_66 = arith.andi %add3A_63, %and3A_65 : vector<16xi32>
    %add3A_67 = arith.constant 48 : i32
    %add3A_68 = vector.broadcast %add3A_67 : i32 to vector<16xi32>
    %add3A_69 = arith.addi %iota3A, %add3A_68 : vector<16xi32>
    %and3A_70 = arith.constant 7 : i32
    %and3A_71 = vector.broadcast %and3A_70 : i32 to vector<16xi32>
    %and3A_72 = arith.andi %add3A_69, %and3A_71 : vector<16xi32>
    %add3A_73 = arith.constant 64 : i32
    %add3A_74 = vector.broadcast %add3A_73 : i32 to vector<16xi32>
    %add3A_75 = arith.addi %iota3A, %add3A_74 : vector<16xi32>
    %and3A_76 = arith.constant 7 : i32
    %and3A_77 = vector.broadcast %and3A_76 : i32 to vector<16xi32>
    %and3A_78 = arith.andi %add3A_75, %and3A_77 : vector<16xi32>
    %add3A_79 = arith.constant 80 : i32
    %add3A_80 = vector.broadcast %add3A_79 : i32 to vector<16xi32>
    %add3A_81 = arith.addi %iota3A, %add3A_80 : vector<16xi32>
    %and3A_82 = arith.constant 7 : i32
    %and3A_83 = vector.broadcast %and3A_82 : i32 to vector<16xi32>
    %and3A_84 = arith.andi %add3A_81, %and3A_83 : vector<16xi32>
    %add3A_85 = arith.constant 96 : i32
    %add3A_86 = vector.broadcast %add3A_85 : i32 to vector<16xi32>
    %add3A_87 = arith.addi %iota3A, %add3A_86 : vector<16xi32>
    %and3A_88 = arith.constant 7 : i32
    %and3A_89 = vector.broadcast %and3A_88 : i32 to vector<16xi32>
    %and3A_90 = arith.andi %add3A_87, %and3A_89 : vector<16xi32>
    %add3A_91 = arith.constant 112 : i32
    %add3A_92 = vector.broadcast %add3A_91 : i32 to vector<16xi32>
    %add3A_93 = arith.addi %iota3A, %add3A_92 : vector<16xi32>
    %and3A_94 = arith.constant 7 : i32
    %and3A_95 = vector.broadcast %and3A_94 : i32 to vector<16xi32>
    %and3A_96 = arith.andi %add3A_93, %and3A_95 : vector<16xi32>
    %dma_start3A = arith.constant 0 : i32
    %dma_start3A_97 = arith.constant 0 : i32
    %dma_start3A_98 = tpu.memref_slice %arg5[%dma_start3A, %dma_start3A_97] : memref<200x128xi32, #tpu.memory_space<vmem>> -> memref<1x128xi32, #tpu.memory_space<vmem>>
    %dma_start3A_99 = tpu.memref_squeeze %dma_start3A_98 : memref<1x128xi32, #tpu.memory_space<vmem>> -> memref<128xi32, #tpu.memory_space<vmem>>
    %dma_start3A_100 = arith.constant 0 : i32
    %dma_start3A_101 = arith.constant 0 : i32
    %dma_start3A_102 = tpu.memref_slice %arg3[%dma_start3A_100, %dma_start3A_101] : memref<1000000x64xf32, #tpu.memory_space<hbm>> -> memref<1000000x64xf32, #tpu.memory_space<hbm>>
    tpu.enqueue_indirect_dma source(%dma_start3A_102 : memref<1000000x64xf32, #tpu.memory_space<hbm>>) target(%arg6 : memref<128x64xf32, #tpu.memory_space<vmem>>) offsets(%dma_start3A_99 : memref<128xi32, #tpu.memory_space<vmem>>) semaphore(%arg10 : memref<!tpu.dma_semaphore, #tpu.memory_space<semaphore_mem>>)
    %dma_start3A_103 = arith.constant 1 : i32
    %dma_start3A_104 = arith.constant 0 : i32
    %dma_start3A_105 = tpu.memref_slice %arg5[%dma_start3A_103, %dma_start3A_104] : memref<200x128xi32, #tpu.memory_space<vmem>> -> memref<1x128xi32, #tpu.memory_space<vmem>>
    %dma_start3A_106 = tpu.memref_squeeze %dma_start3A_105 : memref<1x128xi32, #tpu.memory_space<vmem>> -> memref<128xi32, #tpu.memory_space<vmem>>
    %dma_start3A_107 = arith.constant 0 : i32
    %dma_start3A_108 = arith.constant 0 : i32
    %dma_start3A_109 = tpu.memref_slice %arg3[%dma_start3A_107, %dma_start3A_108] : memref<1000000x64xf32, #tpu.memory_space<hbm>> -> memref<1000000x64xf32, #tpu.memory_space<hbm>>
    tpu.enqueue_indirect_dma source(%dma_start3A_109 : memref<1000000x64xf32, #tpu.memory_space<hbm>>) target(%arg7 : memref<128x64xf32, #tpu.memory_space<vmem>>) offsets(%dma_start3A_106 : memref<128xi32, #tpu.memory_space<vmem>>) semaphore(%arg11 : memref<!tpu.dma_semaphore, #tpu.memory_space<semaphore_mem>>)
    %scan3A = arith.constant 0 : i32
    %scan3A_110 = arith.constant 0 : i32
    %scan3A_111 = arith.constant 100 : i32
    %scan3A_112 = arith.addi %scan3A_110, %scan3A_111 : i32
    %scan3A_113 = arith.constant 1 : i32
    scf.for %scan3A_152 = %scan3A_110 to %scan3A_112 step %scan3A_113  : i32 {
      %mul3A_153 = arith.constant 2 : i32
      %mul3A_154 = arith.muli %mul3A_153, %scan3A_152 : i32
      %add3A_155 = arith.constant 0 : i32
      %add3A_156 = arith.addi %mul3A_154, %add3A_155 : i32
      %dma_wait3A_157 = arith.constant 0 : i32
      %dma_wait3A_158 = arith.constant 0 : i32
      %dma_wait3A_159 = tpu.memref_slice %arg5[%dma_wait3A_157, %dma_wait3A_158] : memref<200x128xi32, #tpu.memory_space<vmem>> -> memref<1x128xi32, #tpu.memory_space<vmem>>
      %dma_wait3A_160 = tpu.memref_squeeze %dma_wait3A_159 : memref<1x128xi32, #tpu.memory_space<vmem>> -> memref<128xi32, #tpu.memory_space<vmem>>
      %dma_wait3A_161 = arith.constant 0 : i32
      %dma_wait3A_162 = arith.constant 0 : i32
      %dma_wait3A_163 = tpu.memref_slice %arg3[%dma_wait3A_161, %dma_wait3A_162] : memref<1000000x64xf32, #tpu.memory_space<hbm>> -> memref<1000000x64xf32, #tpu.memory_space<hbm>>
      tpu.wait_indirect_dma semaphore(%arg10 : memref<!tpu.dma_semaphore, #tpu.memory_space<semaphore_mem>>) src(%dma_wait3A_163 : memref<1000000x64xf32, #tpu.memory_space<hbm>>) dst(%arg6 : memref<128x64xf32, #tpu.memory_space<vmem>>)
      %ge3A = arith.constant 1 : i32
      %ge3A_164 = arith.cmpi sge, %scan3A_152, %ge3A : i32
      %convert_element_type3A = arith.extui %ge3A_164 : i1 to i32
      %cond3A = arith.constant 0 : i32
      %cond3A_165 = arith.cmpi ne, %convert_element_type3A, %cond3A : i32
      scf.if %cond3A_165 {
        %dma_wait3A_232 = arith.constant 0 : i32
        %dma_wait3A_233 = arith.constant 0 : i32
        %dma_wait3A_234 = arith.constant 0 : i32
        %dma_wait3A_235 = arith.constant 0 : i32
        %dma_wait3A_236 = tpu.memref_slice %arg8[%dma_wait3A_233, %dma_wait3A_234, %dma_wait3A_235] : memref<8x8x137xf32, #tpu.memory_space<vmem>> -> memref<8x8x128xf32, #tpu.memory_space<vmem>>
        %dma_wait3A_237 = arith.constant 0 : i32
        %dma_wait3A_238 = arith.constant 0 : i32
        %dma_wait3A_239 = arith.constant 0 : i32
        %dma_wait3A_240 = tpu.memref_slice %arg4[%dma_wait3A_232, %dma_wait3A_237, %add3A, %dma_wait3A_238, %dma_wait3A_239] : memref<200x8x32x8x128xf32, #tpu.memory_space<hbm>> -> memref<1x8x1x8x128xf32, #tpu.memory_space<hbm>>
        %dma_wait3A_241 = tpu.memref_squeeze %dma_wait3A_240 : memref<1x8x1x8x128xf32, #tpu.memory_space<hbm>> -> memref<8x8x128xf32, #tpu.memory_space<hbm>>
        %dma_wait3A_242 = arith.constant 0 : i32
        %dma_wait3A_243 = arith.constant 0 : i32
        %dma_wait3A_244 = arith.constant 0 : i32
        %dma_wait3A_245 = tpu.memref_slice %arg4[%dma_wait3A_232, %dma_wait3A_242, %add3A, %dma_wait3A_243, %dma_wait3A_244] : memref<200x8x32x8x128xf32, #tpu.memory_space<hbm>> -> memref<1x8x1x8x128xf32, #tpu.memory_space<hbm>>
        %dma_wait3A_246 = tpu.memref_squeeze %dma_wait3A_245 : memref<1x8x1x8x128xf32, #tpu.memory_space<hbm>> -> memref<8x8x128xf32, #tpu.memory_space<hbm>>
        %dma_wait3A_247 = arith.constant 0 : i32
        %dma_wait3A_248 = arith.constant 0 : i32
        %dma_wait3A_249 = arith.constant 0 : i32
        %dma_wait3A_250 = tpu.memref_slice %arg8[%dma_wait3A_247, %dma_wait3A_248, %dma_wait3A_249] : memref<8x8x137xf32, #tpu.memory_space<vmem>> -> memref<8x8x128xf32, #tpu.memory_space<vmem>>
        tpu.wait_dma2 semaphore(%arg12 : memref<!tpu.dma_semaphore, #tpu.memory_space<semaphore_mem>>) src(%dma_wait3A_250 : memref<8x8x128xf32, #tpu.memory_space<vmem>>) dst(%dma_wait3A_246 : memref<8x8x128xf32, #tpu.memory_space<hbm>>)
      } else {
      }
      %parallel_loop3A = arith.constant 0 : i32
      %parallel_loop3A_166 = arith.constant 128 : i32
      %parallel_loop3A_167 = arith.constant 1 : i32
      scf.for %parallel_loop3A_232 = %parallel_loop3A to %parallel_loop3A_166 step %parallel_loop3A_167  : i32 {
        %parallel_loop3A_233 = vector.broadcast %parallel_loop3A_232 : i32 to vector<16xi32>
        %parallel_loop3A_234 = arith.index_cast %parallel_loop3A_232 : i32 to index
        %parallel_loop3A_235 = arith.constant 0 : index
        %parallel_loop3A_236 = tpu.vector_load %arg6[%parallel_loop3A_234, %parallel_loop3A_235] {strides = array<i32>} : memref<128x64xf32, #tpu.memory_space<vmem>>, vector<16xf32>,
        tpu.vector_store_idx %arg8[%shift_right_logical3A_7, %and3A_54, %parallel_loop3A_233], %parallel_loop3A_236 : memref<8x8x137xf32, #tpu.memory_space<vmem>>[vector<16xi32>, vector<16xi32>, vector<16xi32>], vector<16xf32>,
        %parallel_loop3A_237 = arith.index_cast %parallel_loop3A_232 : i32 to index
        %parallel_loop3A_238 = arith.constant 16 : index
        %parallel_loop3A_239 = tpu.vector_load %arg6[%parallel_loop3A_237, %parallel_loop3A_238] {strides = array<i32>} : memref<128x64xf32, #tpu.memory_space<vmem>>, vector<16xf32>,
        tpu.vector_store_idx %arg8[%shift_right_logical3A_13, %and3A_60, %parallel_loop3A_233], %parallel_loop3A_239 : memref<8x8x137xf32, #tpu.memory_space<vmem>>[vector<16xi32>, vector<16xi32>, vector<16xi32>], vector<16xf32>,
        %parallel_loop3A_240 = arith.index_cast %parallel_loop3A_232 : i32 to index
        %parallel_loop3A_241 = arith.constant 32 : index
        %parallel_loop3A_242 = tpu.vector_load %arg6[%parallel_loop3A_240, %parallel_loop3A_241] {strides = array<i32>} : memref<128x64xf32, #tpu.memory_space<vmem>>, vector<16xf32>,
        tpu.vector_store_idx %arg8[%shift_right_logical3A_19, %and3A_66, %parallel_loop3A_233], %parallel_loop3A_242 : memref<8x8x137xf32, #tpu.memory_space<vmem>>[vector<16xi32>, vector<16xi32>, vector<16xi32>], vector<16xf32>,
        %parallel_loop3A_243 = arith.index_cast %parallel_loop3A_232 : i32 to index
        %parallel_loop3A_244 = arith.constant 48 : index
        %parallel_loop3A_245 = tpu.vector_load %arg6[%parallel_loop3A_243, %parallel_loop3A_244] {strides = array<i32>} : memref<128x64xf32, #tpu.memory_space<vmem>>, vector<16xf32>,
        tpu.vector_store_idx %arg8[%shift_right_logical3A_25, %and3A_72, %parallel_loop3A_233], %parallel_loop3A_245 : memref<8x8x137xf32, #tpu.memory_space<vmem>>[vector<16xi32>, vector<16xi32>, vector<16xi32>], vector<16xf32>,
      } {sc.loop_unroll_factor = 4 : i64, sc.parallel_access}
      %dma_start3A_168 = arith.constant 0 : i32
      %dma_start3A_169 = arith.constant 0 : i32
      %dma_start3A_170 = arith.constant 0 : i32
      %dma_start3A_171 = tpu.memref_slice %arg8[%dma_start3A_168, %dma_start3A_169, %dma_start3A_170] : memref<8x8x137xf32, #tpu.memory_space<vmem>> -> memref<8x8x128xf32, #tpu.memory_space<vmem>>
      %dma_start3A_172 = arith.constant 0 : i32
      %dma_start3A_173 = arith.constant 0 : i32
      %dma_start3A_174 = arith.constant 0 : i32
      %dma_start3A_175 = tpu.memref_slice %arg4[%add3A_156, %dma_start3A_172, %add3A, %dma_start3A_173, %dma_start3A_174] : memref<200x8x32x8x128xf32, #tpu.memory_space<hbm>> -> memref<1x8x1x8x128xf32, #tpu.memory_space<hbm>>
      %dma_start3A_176 = tpu.memref_squeeze %dma_start3A_175 : memref<1x8x1x8x128xf32, #tpu.memory_space<hbm>> -> memref<8x8x128xf32, #tpu.memory_space<hbm>>
      %dma_start3A_177 = arith.constant 0 : i32
      %dma_start3A_178 = arith.constant 0 : i32
      %dma_start3A_179 = arith.constant 0 : i32
      %dma_start3A_180 = tpu.memref_slice %arg4[%add3A_156, %dma_start3A_177, %add3A, %dma_start3A_178, %dma_start3A_179] : memref<200x8x32x8x128xf32, #tpu.memory_space<hbm>> -> memref<1x8x1x8x128xf32, #tpu.memory_space<hbm>>
      %dma_start3A_181 = tpu.memref_squeeze %dma_start3A_180 : memref<1x8x1x8x128xf32, #tpu.memory_space<hbm>> -> memref<8x8x128xf32, #tpu.memory_space<hbm>>
      %dma_start3A_182 = arith.constant 0 : i32
      %dma_start3A_183 = arith.constant 0 : i32
      %dma_start3A_184 = arith.constant 0 : i32
      %dma_start3A_185 = tpu.memref_slice %arg8[%dma_start3A_182, %dma_start3A_183, %dma_start3A_184] : memref<8x8x137xf32, #tpu.memory_space<vmem>> -> memref<8x8x128xf32, #tpu.memory_space<vmem>>
      tpu.enqueue_dma source(%dma_start3A_185 : memref<8x8x128xf32, #tpu.memory_space<vmem>>) target(%dma_start3A_181 : memref<8x8x128xf32, #tpu.memory_space<hbm>>) target_semaphore(%arg12 : memref<!tpu.dma_semaphore, #tpu.memory_space<semaphore_mem>>)
      %le3A = arith.constant 98 : i32
      %le3A_186 = arith.cmpi sle, %scan3A_152, %le3A : i32
      %convert_element_type3A_187 = arith.extui %le3A_186 : i1 to i32
      %cond3A_188 = arith.constant 0 : i32
      %cond3A_189 = arith.cmpi ne, %convert_element_type3A_187, %cond3A_188 : i32
      scf.if %cond3A_189 {
        %add3A_232 = arith.constant 2 : i32
        %add3A_233 = arith.addi %add3A_156, %add3A_232 : i32
        %dma_start3A_234 = arith.constant 0 : i32
        %dma_start3A_235 = tpu.memref_slice %arg5[%add3A_233, %dma_start3A_234] : memref<200x128xi32, #tpu.memory_space<vmem>> -> memref<1x128xi32, #tpu.memory_space<vmem>>
        %dma_start3A_236 = tpu.memref_squeeze %dma_start3A_235 : memref<1x128xi32, #tpu.memory_space<vmem>> -> memref<128xi32, #tpu.memory_space<vmem>>
        %dma_start3A_237 = arith.constant 0 : i32
        %dma_start3A_238 = arith.constant 0 : i32
        %dma_start3A_239 = tpu.memref_slice %arg3[%dma_start3A_237, %dma_start3A_238] : memref<1000000x64xf32, #tpu.memory_space<hbm>> -> memref<1000000x64xf32, #tpu.memory_space<hbm>>
        tpu.enqueue_indirect_dma source(%dma_start3A_239 : memref<1000000x64xf32, #tpu.memory_space<hbm>>) target(%arg6 : memref<128x64xf32, #tpu.memory_space<vmem>>) offsets(%dma_start3A_236 : memref<128xi32, #tpu.memory_space<vmem>>) semaphore(%arg10 : memref<!tpu.dma_semaphore, #tpu.memory_space<semaphore_mem>>)
      } else {
      }
      %mul3A_190 = arith.constant 2 : i32
      %mul3A_191 = arith.muli %mul3A_190, %scan3A_152 : i32
      %add3A_192 = arith.constant 1 : i32
      %add3A_193 = arith.addi %mul3A_191, %add3A_192 : i32
      %dma_wait3A_194 = arith.constant 0 : i32
      %dma_wait3A_195 = arith.constant 0 : i32
      %dma_wait3A_196 = tpu.memref_slice %arg5[%dma_wait3A_194, %dma_wait3A_195] : memref<200x128xi32, #tpu.memory_space<vmem>> -> memref<1x128xi32, #tpu.memory_space<vmem>>
      %dma_wait3A_197 = tpu.memref_squeeze %dma_wait3A_196 : memref<1x128xi32, #tpu.memory_space<vmem>> -> memref<128xi32, #tpu.memory_space<vmem>>
      %dma_wait3A_198 = arith.constant 0 : i32
      %dma_wait3A_199 = arith.constant 0 : i32
      %dma_wait3A_200 = tpu.memref_slice %arg3[%dma_wait3A_198, %dma_wait3A_199] : memref<1000000x64xf32, #tpu.memory_space<hbm>> -> memref<1000000x64xf32, #tpu.memory_space<hbm>>
      tpu.wait_indirect_dma semaphore(%arg11 : memref<!tpu.dma_semaphore, #tpu.memory_space<semaphore_mem>>) src(%dma_wait3A_200 : memref<1000000x64xf32, #tpu.memory_space<hbm>>) dst(%arg7 : memref<128x64xf32, #tpu.memory_space<vmem>>)
      %ge3A_201 = arith.constant 1 : i32
      %ge3A_202 = arith.cmpi sge, %scan3A_152, %ge3A_201 : i32
      %convert_element_type3A_203 = arith.extui %ge3A_202 : i1 to i32
      %cond3A_204 = arith.constant 0 : i32
      %cond3A_205 = arith.cmpi ne, %convert_element_type3A_203, %cond3A_204 : i32
      scf.if %cond3A_205 {
        %dma_wait3A_232 = arith.constant 0 : i32
        %dma_wait3A_233 = arith.constant 0 : i32
        %dma_wait3A_234 = arith.constant 0 : i32
        %dma_wait3A_235 = arith.constant 0 : i32
        %dma_wait3A_236 = tpu.memref_slice %arg9[%dma_wait3A_233, %dma_wait3A_234, %dma_wait3A_235] : memref<8x8x137xf32, #tpu.memory_space<vmem>> -> memref<8x8x128xf32, #tpu.memory_space<vmem>>
        %dma_wait3A_237 = arith.constant 0 : i32
        %dma_wait3A_238 = arith.constant 0 : i32
        %dma_wait3A_239 = arith.constant 0 : i32
        %dma_wait3A_240 = tpu.memref_slice %arg4[%dma_wait3A_232, %dma_wait3A_237, %add3A, %dma_wait3A_238, %dma_wait3A_239] : memref<200x8x32x8x128xf32, #tpu.memory_space<hbm>> -> memref<1x8x1x8x128xf32, #tpu.memory_space<hbm>>
        %dma_wait3A_241 = tpu.memref_squeeze %dma_wait3A_240 : memref<1x8x1x8x128xf32, #tpu.memory_space<hbm>> -> memref<8x8x128xf32, #tpu.memory_space<hbm>>
        %dma_wait3A_242 = arith.constant 0 : i32
        %dma_wait3A_243 = arith.constant 0 : i32
        %dma_wait3A_244 = arith.constant 0 : i32
        %dma_wait3A_245 = tpu.memref_slice %arg4[%dma_wait3A_232, %dma_wait3A_242, %add3A, %dma_wait3A_243, %dma_wait3A_244] : memref<200x8x32x8x128xf32, #tpu.memory_space<hbm>> -> memref<1x8x1x8x128xf32, #tpu.memory_space<hbm>>
        %dma_wait3A_246 = tpu.memref_squeeze %dma_wait3A_245 : memref<1x8x1x8x128xf32, #tpu.memory_space<hbm>> -> memref<8x8x128xf32, #tpu.memory_space<hbm>>
        %dma_wait3A_247 = arith.constant 0 : i32
        %dma_wait3A_248 = arith.constant 0 : i32
        %dma_wait3A_249 = arith.constant 0 : i32
        %dma_wait3A_250 = tpu.memref_slice %arg9[%dma_wait3A_247, %dma_wait3A_248, %dma_wait3A_249] : memref<8x8x137xf32, #tpu.memory_space<vmem>> -> memref<8x8x128xf32, #tpu.memory_space<vmem>>
        tpu.wait_dma2 semaphore(%arg13 : memref<!tpu.dma_semaphore, #tpu.memory_space<semaphore_mem>>) src(%dma_wait3A_250 : memref<8x8x128xf32, #tpu.memory_space<vmem>>) dst(%dma_wait3A_246 : memref<8x8x128xf32, #tpu.memory_space<hbm>>)
      } else {
      }
      %parallel_loop3A_206 = arith.constant 0 : i32
      %parallel_loop3A_207 = arith.constant 128 : i32
      %parallel_loop3A_208 = arith.constant 1 : i32
      scf.for %parallel_loop3A_232 = %parallel_loop3A_206 to %parallel_loop3A_207 step %parallel_loop3A_208  : i32 {
        %parallel_loop3A_233 = vector.broadcast %parallel_loop3A_232 : i32 to vector<16xi32>
        %parallel_loop3A_234 = arith.index_cast %parallel_loop3A_232 : i32 to index
        %parallel_loop3A_235 = arith.constant 0 : index
        %parallel_loop3A_236 = tpu.vector_load %arg7[%parallel_loop3A_234, %parallel_loop3A_235] {strides = array<i32>} : memref<128x64xf32, #tpu.memory_space<vmem>>, vector<16xf32>,
        tpu.vector_store_idx %arg9[%shift_right_logical3A_7, %and3A_54, %parallel_loop3A_233], %parallel_loop3A_236 : memref<8x8x137xf32, #tpu.memory_space<vmem>>[vector<16xi32>, vector<16xi32>, vector<16xi32>], vector<16xf32>,
        %parallel_loop3A_237 = arith.index_cast %parallel_loop3A_232 : i32 to index
        %parallel_loop3A_238 = arith.constant 16 : index
        %parallel_loop3A_239 = tpu.vector_load %arg7[%parallel_loop3A_237, %parallel_loop3A_238] {strides = array<i32>} : memref<128x64xf32, #tpu.memory_space<vmem>>, vector<16xf32>,
        tpu.vector_store_idx %arg9[%shift_right_logical3A_13, %and3A_60, %parallel_loop3A_233], %parallel_loop3A_239 : memref<8x8x137xf32, #tpu.memory_space<vmem>>[vector<16xi32>, vector<16xi32>, vector<16xi32>], vector<16xf32>,
        %parallel_loop3A_240 = arith.index_cast %parallel_loop3A_232 : i32 to index
        %parallel_loop3A_241 = arith.constant 32 : index
        %parallel_loop3A_242 = tpu.vector_load %arg7[%parallel_loop3A_240, %parallel_loop3A_241] {strides = array<i32>} : memref<128x64xf32, #tpu.memory_space<vmem>>, vector<16xf32>,
        tpu.vector_store_idx %arg9[%shift_right_logical3A_19, %and3A_66, %parallel_loop3A_233], %parallel_loop3A_242 : memref<8x8x137xf32, #tpu.memory_space<vmem>>[vector<16xi32>, vector<16xi32>, vector<16xi32>], vector<16xf32>,
        %parallel_loop3A_243 = arith.index_cast %parallel_loop3A_232 : i32 to index
        %parallel_loop3A_244 = arith.constant 48 : index
        %parallel_loop3A_245 = tpu.vector_load %arg7[%parallel_loop3A_243, %parallel_loop3A_244] {strides = array<i32>} : memref<128x64xf32, #tpu.memory_space<vmem>>, vector<16xf32>,
        tpu.vector_store_idx %arg9[%shift_right_logical3A_25, %and3A_72, %parallel_loop3A_233], %parallel_loop3A_245 : memref<8x8x137xf32, #tpu.memory_space<vmem>>[vector<16xi32>, vector<16xi32>, vector<16xi32>], vector<16xf32>,
      } {sc.loop_unroll_factor = 4 : i64, sc.parallel_access}
      %dma_start3A_209 = arith.constant 0 : i32
      %dma_start3A_210 = arith.constant 0 : i32
      %dma_start3A_211 = arith.constant 0 : i32
      %dma_start3A_212 = tpu.memref_slice %arg9[%dma_start3A_209, %dma_start3A_210, %dma_start3A_211] : memref<8x8x137xf32, #tpu.memory_space<vmem>> -> memref<8x8x128xf32, #tpu.memory_space<vmem>>
      %dma_start3A_213 = arith.constant 0 : i32
      %dma_start3A_214 = arith.constant 0 : i32
      %dma_start3A_215 = arith.constant 0 : i32
      %dma_start3A_216 = tpu.memref_slice %arg4[%add3A_193, %dma_start3A_213, %add3A, %dma_start3A_214, %dma_start3A_215] : memref<200x8x32x8x128xf32, #tpu.memory_space<hbm>> -> memref<1x8x1x8x128xf32, #tpu.memory_space<hbm>>
      %dma_start3A_217 = tpu.memref_squeeze %dma_start3A_216 : memref<1x8x1x8x128xf32, #tpu.memory_space<hbm>> -> memref<8x8x128xf32, #tpu.memory_space<hbm>>
      %dma_start3A_218 = arith.constant 0 : i32
      %dma_start3A_219 = arith.constant 0 : i32
      %dma_start3A_220 = arith.constant 0 : i32
      %dma_start3A_221 = tpu.memref_slice %arg4[%add3A_193, %dma_start3A_218, %add3A, %dma_start3A_219, %dma_start3A_220] : memref<200x8x32x8x128xf32, #tpu.memory_space<hbm>> -> memref<1x8x1x8x128xf32, #tpu.memory_space<hbm>>
      %dma_start3A_222 = tpu.memref_squeeze %dma_start3A_221 : memref<1x8x1x8x128xf32, #tpu.memory_space<hbm>> -> memref<8x8x128xf32, #tpu.memory_space<hbm>>
      %dma_start3A_223 = arith.constant 0 : i32
      %dma_start3A_224 = arith.constant 0 : i32
      %dma_start3A_225 = arith.constant 0 : i32
      %dma_start3A_226 = tpu.memref_slice %arg9[%dma_start3A_223, %dma_start3A_224, %dma_start3A_225] : memref<8x8x137xf32, #tpu.memory_space<vmem>> -> memref<8x8x128xf32, #tpu.memory_space<vmem>>
      tpu.enqueue_dma source(%dma_start3A_226 : memref<8x8x128xf32, #tpu.memory_space<vmem>>) target(%dma_start3A_222 : memref<8x8x128xf32, #tpu.memory_space<hbm>>) target_semaphore(%arg13 : memref<!tpu.dma_semaphore, #tpu.memory_space<semaphore_mem>>)
      %le3A_227 = arith.constant 98 : i32
      %le3A_228 = arith.cmpi sle, %scan3A_152, %le3A_227 : i32
      %convert_element_type3A_229 = arith.extui %le3A_228 : i1 to i32
      %cond3A_230 = arith.constant 0 : i32
      %cond3A_231 = arith.cmpi ne, %convert_element_type3A_229, %cond3A_230 : i32
      scf.if %cond3A_231 {
        %add3A_232 = arith.constant 2 : i32
        %add3A_233 = arith.addi %add3A_193, %add3A_232 : i32
        %dma_start3A_234 = arith.constant 0 : i32
        %dma_start3A_235 = tpu.memref_slice %arg5[%add3A_233, %dma_start3A_234] : memref<200x128xi32, #tpu.memory_space<vmem>> -> memref<1x128xi32, #tpu.memory_space<vmem>>
        %dma_start3A_236 = tpu.memref_squeeze %dma_start3A_235 : memref<1x128xi32, #tpu.memory_space<vmem>> -> memref<128xi32, #tpu.memory_space<vmem>>
        %dma_start3A_237 = arith.constant 0 : i32
        %dma_start3A_238 = arith.constant 0 : i32
        %dma_start3A_239 = tpu.memref_slice %arg3[%dma_start3A_237, %dma_start3A_238] : memref<1000000x64xf32, #tpu.memory_space<hbm>> -> memref<1000000x64xf32, #tpu.memory_space<hbm>>
        tpu.enqueue_indirect_dma source(%dma_start3A_239 : memref<1000000x64xf32, #tpu.memory_space<hbm>>) target(%arg7 : memref<128x64xf32, #tpu.memory_space<vmem>>) offsets(%dma_start3A_236 : memref<128xi32, #tpu.memory_space<vmem>>) semaphore(%arg11 : memref<!tpu.dma_semaphore, #tpu.memory_space<semaphore_mem>>)
      } else {
      }
    }
    %scan3A_114 = arith.constant 100 : i32
    %dma_wait3A = arith.constant 0 : i32
    %dma_wait3A_115 = arith.constant 0 : i32
    %dma_wait3A_116 = arith.constant 0 : i32
    %dma_wait3A_117 = arith.constant 0 : i32
    %dma_wait3A_118 = tpu.memref_slice %arg8[%dma_wait3A_115, %dma_wait3A_116, %dma_wait3A_117] : memref<8x8x137xf32, #tpu.memory_space<vmem>> -> memref<8x8x128xf32, #tpu.memory_space<vmem>>
    %dma_wait3A_119 = arith.constant 0 : i32
    %dma_wait3A_120 = arith.constant 0 : i32
    %dma_wait3A_121 = arith.constant 0 : i32
    %dma_wait3A_122 = tpu.memref_slice %arg4[%dma_wait3A, %dma_wait3A_119, %add3A, %dma_wait3A_120, %dma_wait3A_121] : memref<200x8x32x8x128xf32, #tpu.memory_space<hbm>> -> memref<1x8x1x8x128xf32, #tpu.memory_space<hbm>>
    %dma_wait3A_123 = tpu.memref_squeeze %dma_wait3A_122 : memref<1x8x1x8x128xf32, #tpu.memory_space<hbm>> -> memref<8x8x128xf32, #tpu.memory_space<hbm>>
    %dma_wait3A_124 = arith.constant 0 : i32
    %dma_wait3A_125 = arith.constant 0 : i32
    %dma_wait3A_126 = arith.constant 0 : i32
    %dma_wait3A_127 = tpu.memref_slice %arg4[%dma_wait3A, %dma_wait3A_124, %add3A, %dma_wait3A_125, %dma_wait3A_126] : memref<200x8x32x8x128xf32, #tpu.memory_space<hbm>> -> memref<1x8x1x8x128xf32, #tpu.memory_space<hbm>>
    %dma_wait3A_128 = tpu.memref_squeeze %dma_wait3A_127 : memref<1x8x1x8x128xf32, #tpu.memory_space<hbm>> -> memref<8x8x128xf32, #tpu.memory_space<hbm>>
    %dma_wait3A_129 = arith.constant 0 : i32
    %dma_wait3A_130 = arith.constant 0 : i32
    %dma_wait3A_131 = arith.constant 0 : i32
    %dma_wait3A_132 = tpu.memref_slice %arg8[%dma_wait3A_129, %dma_wait3A_130, %dma_wait3A_131] : memref<8x8x137xf32, #tpu.memory_space<vmem>> -> memref<8x8x128xf32, #tpu.memory_space<vmem>>
    tpu.wait_dma2 semaphore(%arg12 : memref<!tpu.dma_semaphore, #tpu.memory_space<semaphore_mem>>) src(%dma_wait3A_132 : memref<8x8x128xf32, #tpu.memory_space<vmem>>) dst(%dma_wait3A_128 : memref<8x8x128xf32, #tpu.memory_space<hbm>>)
    %dma_wait3A_133 = arith.constant 0 : i32
    %dma_wait3A_134 = arith.constant 0 : i32
    %dma_wait3A_135 = arith.constant 0 : i32
    %dma_wait3A_136 = arith.constant 0 : i32
    %dma_wait3A_137 = tpu.memref_slice %arg9[%dma_wait3A_134, %dma_wait3A_135, %dma_wait3A_136] : memref<8x8x137xf32, #tpu.memory_space<vmem>> -> memref<8x8x128xf32, #tpu.memory_space<vmem>>
    %dma_wait3A_138 = arith.constant 0 : i32
    %dma_wait3A_139 = arith.constant 0 : i32
    %dma_wait3A_140 = arith.constant 0 : i32
    %dma_wait3A_141 = tpu.memref_slice %arg4[%dma_wait3A_133, %dma_wait3A_138, %add3A, %dma_wait3A_139, %dma_wait3A_140] : memref<200x8x32x8x128xf32, #tpu.memory_space<hbm>> -> memref<1x8x1x8x128xf32, #tpu.memory_space<hbm>>
    %dma_wait3A_142 = tpu.memref_squeeze %dma_wait3A_141 : memref<1x8x1x8x128xf32, #tpu.memory_space<hbm>> -> memref<8x8x128xf32, #tpu.memory_space<hbm>>
    %dma_wait3A_143 = arith.constant 0 : i32
    %dma_wait3A_144 = arith.constant 0 : i32
    %dma_wait3A_145 = arith.constant 0 : i32
    %dma_wait3A_146 = tpu.memref_slice %arg4[%dma_wait3A_133, %dma_wait3A_143, %add3A, %dma_wait3A_144, %dma_wait3A_145] : memref<200x8x32x8x128xf32, #tpu.memory_space<hbm>> -> memref<1x8x1x8x128xf32, #tpu.memory_space<hbm>>
    %dma_wait3A_147 = tpu.memref_squeeze %dma_wait3A_146 : memref<1x8x1x8x128xf32, #tpu.memory_space<hbm>> -> memref<8x8x128xf32, #tpu.memory_space<hbm>>
    %dma_wait3A_148 = arith.constant 0 : i32
    %dma_wait3A_149 = arith.constant 0 : i32
    %dma_wait3A_150 = arith.constant 0 : i32
    %dma_wait3A_151 = tpu.memref_slice %arg9[%dma_wait3A_148, %dma_wait3A_149, %dma_wait3A_150] : memref<8x8x137xf32, #tpu.memory_space<vmem>> -> memref<8x8x128xf32, #tpu.memory_space<vmem>>
    tpu.wait_dma2 semaphore(%arg13 : memref<!tpu.dma_semaphore, #tpu.memory_space<semaphore_mem>>) src(%dma_wait3A_151 : memref<8x8x128xf32, #tpu.memory_space<vmem>>) dst(%dma_wait3A_147 : memref<8x8x128xf32, #tpu.memory_space<hbm>>)
    return
  }
}

</mosaic_0001>

<sc_bundles>
// kernel: kernel.3.cloned.1.call-start
scs
__scs_entry_jumppad:
0x0: {  	(pc) =	sbr.rel $0x88, $3  }
0x1: {  	(tag) =	ssettag $0x0;
	lr =	simm.s32 $0x1  }
0x2: {  	[smem:$0x3F9F] =	sst lr;
	_ =	strace $0xD0000000  }
0x3: {  	_ = 	snop  }
0x4: {  	_ = 	snop  }
0x5: {  	_ = 	snop  }
0x6: {  	_ = 	snop  }
0x7: {  	_ = 	snop  }
__scs_overlays_trampoline_lowered:
0x8: {  	[smem:$0x3FAE] =	sst s0  }
0x9: {  	[smem:$0x3FAF] =	sst s1  }
0xa: {  	[smem:$0x3FB0] =	sst s2  }
0xb: {  	[smem:$0x3FB1] =	sst s3  }
0xc: {  	[smem:$0x3FB2] =	sst s4  }
0xd: {  	[smem:$0x3FB3] =	sst s5  }
0xe: {  	[smem:$0x3FB4] =	sst s6  }
0xf: {  	[smem:$0x3FB5] =	sst s7  }
0x10: {  	[smem:$0x3FB6] =	sst s8  }
0x11: {  	[smem:$0x3FB7] =	sst s9;
	s0 =	simm.s32 @!p0 $0x0  }
0x12: {  	s1 =	sld [smem:$0x3F9D];
	s0 =	simm.s32 @p0 $0x1  }
0x13: {  	[smem:$0x3FB8] =	sst s0;
	s0 =	simm.s32 @!p1 $0x0  }
0x14: {  	s2 =	sld [smem:$0x3F9C];
	s0 =	simm.s32 @p1 $0x1  }
0x15: {  	[smem:$0x3FB9] =	sst s0;
	s0 =	simm.s32 @!p2 $0x0  }
0x16: {  	s3 =	sld [smem:$0x3FDB];
	s0 =	simm.s32 @p2 $0x1  }
0x17: {  	s4 =	simm.s32 $0x1BF5;
	[smem:$0x3FBB] =	sst s0  }
0x18: {  	s0 =	sld [smem:$0x3F9E];
	_ =	swait.ge [sflag:s4], $0x0  }
0x19: {  	s7 =	sld [smem:$0x3F9F]  }
0x1a: {  	s8 =	sadd.s32 $0xFFFFE003, lr  }
0x1b: {  	s9 =	sadd.s32 $0xFFFFFEF7, lr;
	s5 =	simm.s32 $0xFFFFFFFF;
	p2 =	slt.u32 s8, $0xFFFFF086  }
0x1c: {  	p1 =	slt.u32 s9, $0xF7A;
	s5 =	simm.s32 @!p2 $0x0  }
0x1d: {  	s5 =	simm.s32 @p1 $0x1;
	p0 =	seq.s32 s7, s2  }
0x1e: {  	s7 =	smul.u32 @!p0 $0xF7A, s2;
	p2 =	seq.s32 @!p0 s5, $0x0  }
0x1f: {  	s9 =	smul.u32 $0xF7A, s1;
	s8 =	simm.s32 @!p0 $0x1BF5;
	p2 =	por !p2, p0  }
0x20: {  	[sflag:s8] =	ssyncset.s32 @!p0 $0xFFFFF086;
	s6 =	sadd.s32 @!p0 s3, s7;
	s7 =	simm.s32 @!p0 $0x108  }
0x21: {  	s3 =	sadd.s32 s3, s9;
	s6 =	sadd.s32 @!p0 $0x88, s6;
	s7 =	simm.s32 @p2 $0x1082  }
0x22: {  	[simem:s7], [sflag:s8] =	dma.local @!p0 [hbm:s6], $0xF7A  }
0x23: {  	s9 =	sor.u32 $0xD0000000, s2;
	s6 =	simm.s32 $0x108;
	_ =	swait.ge @!p0 [sflag:s8], $0x0  }
0x24: {  	s3 =	sadd.s32 $0x88, s3;
	s6 =	simm.s32 @!p1 $0x1082;
	[sflag:s4] =	ssyncset.s32 $0xFFFFF086  }
0x25: {  	[simem:s6], [sflag:s4] =	dma.local [hbm:s3], $0xF7A  }
0x26: {  	[smem:$0x3F9F] =	sst s1;
	(tag) =	ssettag s2;
	_ =	strace s9  }
0x27: {  	s1 =	sld [smem:$0x3FAF]  }
0x28: {  	s2 =	sld [smem:$0x3FB0]  }
0x29: {  	s4 =	sld [smem:$0x3FB2]  }
0x2a: {  	p0 =	seq.s32 s5, $0x0;
	s5 =	sld [smem:$0x3FB3]  }
0x2b: {  	s6 =	sld [smem:$0x3FB4]  }
0x2c: {  	s7 =	sld [smem:$0x3FB5]  }
0x2d: {  	s3 =	simm.s32 $0x108;
	s8 =	sld [smem:$0x3FB6]  }
0x2e: {  	s3 =	simm.s32 @!p0 $0x1082;
	s9 =	sld [smem:$0x3FB7]  }
0x2f: {  	lr =	sadd.s32 s0, s3;
	s0 =	sld [smem:$0x3FAE]  }
0x30: {  	s3 =	sld [smem:$0x3FB1]  }
0x31: {  	[smem:$0x3FBA] =	sst s10  }
0x32: {  	s10 =	sld [smem:$0x3FB8];
	_ =	sdelay $0x3  }
0x33: {  	p0 =	seq.s32 s10, $0x1;
	s10 =	sld [smem:$0x3FBA];
	_ =	sdelay $0x3  }
0x34: {  	[smem:$0x3FBA] =	sst s10  }
0x35: {  	s10 =	sld [smem:$0x3FB9];
	_ =	sdelay $0x3  }
0x36: {  	p1 =	seq.s32 s10, $0x1;
	s10 =	sld [smem:$0x3FBA];
	_ =	sdelay $0x3  }
0x37: {  	[smem:$0x3FBA] =	sst s10  }
0x38: {  	s10 =	sld [smem:$0x3FBB]  }
0x39: {  	_ = 	snop;
	(pc) =	sbr.ind lr, $3  }
0x3a: {  	_ = 	snop  }
0x3b: {  	_ = 	snop  }
0x3c: {  	p2 =	seq.s32 s10, $0x1;
	s10 =	sld [smem:$0x3FBA]  }
0x3d: {  	_ =	shalt  }
0x3e: {  	_ =	shalt  }
0x3f: {  	_ =	shalt  }
0x40: {  	_ =	shalt  }
0x41: {  	_ =	shalt  }
0x42: {  	_ =	shalt  }
0x43: {  	_ =	shalt  }
0x44: {  	_ =	shalt  }
0x45: {  	_ =	shalt  }
0x46: {  	_ =	shalt  }
0x47: {  	_ =	shalt  }
0x48: {  	_ =	shalt  }
0x49: {  	_ =	shalt  }
0x4a: {  	_ =	shalt  }
0x4b: {  	_ =	shalt  }
0x4c: {  	_ =	shalt  }
0x4d: {  	_ =	shalt  }
0x4e: {  	_ =	shalt  }
0x4f: {  	_ =	shalt  }
0x50: {  	_ =	shalt  }
0x51: {  	_ =	shalt  }
0x52: {  	_ =	shalt  }
0x53: {  	_ =	shalt  }
0x54: {  	_ =	shalt  }
0x55: {  	_ =	shalt  }
0x56: {  	_ =	shalt  }
0x57: {  	_ =	shalt  }
0x58: {  	_ =	shalt  }
0x59: {  	_ =	shalt  }
0x5a: {  	_ =	shalt  }
0x5b: {  	_ =	shalt  }
0x5c: {  	_ =	shalt  }
0x5d: {  	_ =	shalt  }
0x5e: {  	_ =	shalt  }
0x5f: {  	_ =	shalt  }
0x60: {  	_ =	shalt  }
0x61: {  	_ =	shalt  }
0x62: {  	_ =	shalt  }
0x63: {  	_ =	shalt  }
0x64: {  	_ =	shalt  }
0x65: {  	_ =	shalt  }
0x66: {  	_ =	shalt  }
0x67: {  	_ =	shalt  }
0x68: {  	_ =	shalt  }
0x69: {  	_ =	shalt  }
0x6a: {  	_ =	shalt  }
0x6b: {  	_ =	shalt  }
0x6c: {  	_ =	shalt  }
0x6d: {  	_ =	shalt  }
0x6e: {  	_ =	shalt  }
0x6f: {  	_ =	shalt  }
0x70: {  	_ =	shalt  }
0x71: {  	_ =	shalt  }
0x72: {  	_ =	shalt  }
0x73: {  	_ =	shalt  }
0x74: {  	_ =	shalt  }
0x75: {  	_ =	shalt  }
0x76: {  	_ =	shalt  }
0x77: {  	_ =	shalt  }
0x78: {  	_ =	shalt  }
0x79: {  	_ =	shalt  }
0x7a: {  	_ =	shalt  }
0x7b: {  	_ =	shalt  }
0x7c: {  	_ =	shalt  }
0x7d: {  	_ =	shalt  }
0x7e: {  	_ =	shalt  }
0x7f: {  	_ =	shalt  }
0x80: {  	_ =	shalt  }
0x81: {  	_ =	shalt  }
0x82: {  	_ =	shalt  }
0x83: {  	_ =	shalt  }
0x84: {  	_ =	shalt  }
0x85: {  	_ =	shalt  }
0x86: {  	_ =	shalt  }
0x87: {  	_ =	shalt  }
.Lfunc_end0:
.L_simem_size_0:
called_computation_lowered:
.L_overlay_start_0:
0x88: {  	s2 =	sld [smem:$0x3FD9]  }
0x89: {  	s3 =	sld [smem:$0x3FFE];
	_ =	sdelay $0x1  }
0x8a: {  	s1 =	srdreg.scid  }
0x8b: {  	s0 =	sand.u32 $0x1, s1  }
0x8c: {  	s17 =	sshll.u32 s0, $0xA;
	s2 =	sadd.s32 s3, s2  }
0x8d: {  	s2 =	sadd.s32 s2, s17  }
0x8e: {  	[smem:$0x3FC6] =	sst s2  }
0x8f: {  	_ = 	snop  }
0x90: {  	s2 =	sld [smem:$0x3FD0];
	(tm) =	ssettm $0x1  }
0x91: {  	s18 =	sld [smem:$0x3FFB];
	_ =	sdelay $0x3  }
0x92: {  	_ =	strace s18  }
0x93: {  	s3 =	sld [smem:$0x3FFC];
	_ =	sdelay $0x3  }
0x94: {  	_ =	strace s3  }
0x95: {  	s3 =	sld [smem:$0x3FFD];
	_ =	sdelay $0x3  }
0x96: {  	_ =	strace s3  }
0x97: {  	_ =	strace $0x8FFFFFFF  }
0x98: {  	s19 =	sld [smem:$0x3FDB];
	_ =	sdelay $0x1  }
0x99: {  	s4 =	simm.s32 $_scs_section_size  }
0x9a: {  	s5 =	simm.s32 $_size__tile_overlayer_lowered;
	s6 =	simm.s32 $_tile_overlayer_lowered  }
0x9b: {  	s22 =	simm.s32 $0x1BFF;
	s21 =	sshll.u32 s6, $0x1;
	s3 =	sadd.s32 s4, s19  }
0x9c: {  	s7 =	simm.s32 $0x0;
	s20 =	sshll.u32 s5, $0x1;
	s5 =	sadd.s32 s21, s3  }
0x9d: {  	[timem:s7], [sflag:s22] =	dma.local [hbm:s5], s20  }
0x9e: {  	_ =	swait.ge [sflag:s22], s20  }
0x9f: {  	s4 =	ssub.s32 $0x0, s20;
	[sflag:s22] =	ssyncset.done $0x0  }
0xa0: {  	[sflag:s22] =	ssyncadd.s32 s4;
	_ =	sdelay $0x1  }
0xa1: {  	s23 =	simm.s32 $0x1B8B  }
0xa2: {  	_ =	swait.ge [sflag:s23], $0x1  }
0xa3: {  	[sflag:s23] =	ssyncset.done $0x0  }
0xa4: {  	s25 =	simm.s32 $0x1B8E;
	s24 =	sld [smem:$0x3FFE];
	[sflag:s23] =	ssyncadd.s32 $0xFFFFFFFF  }
0xa5: {  	s26 =	simm.s32 $execute0_lowered;
	[smem:$0x3FD2] =	sst s25  }
0xa6: {  	s5 =	sshll.u32 s26, $0x1;
	_ =	strace $0x80000046;
	[dreg:$0x1] =	wrdreg $0xFFFFFFFF  }
0xa7: {  	s28 =	simm.s32 $_size_execute0_lowered;
	s3 =	sadd.s32 s3, s5;
	[dreg:$0x0] =	wrdreg $0x0  }
0xa8: {  	s5 =	sshll.u32 s28, $0x1;
	[dreg:$0x2] =	wrdreg s3  }
0xa9: {  	[dreg:$0x3] =	wrdreg s5  }
0xaa: {  	[dreg:$0x4] =	wrdreg $0xC0  }
0xab: {  	_ =	task [dreg:s7], $0x5FFFF  }
0xac: {  	[dreg:$0x1] =	wrdreg $0xFFFFFFFF  }
0xad: {  	[dreg:$0x0] =	wrdreg $0x60  }
0xae: {  	[dreg:$0x2] =	wrdreg s24  }
0xaf: {  	[dreg:$0x3] =	wrdreg s2  }
0xb0: {  	[dreg:$0x4] =	wrdreg $0x9  }
0xb1: {  	_ =	task.clear_ibuf [dreg:s7], $0x5FFFF;
	_ =	strace $0x90000046  }
0xb2: {  	s29 =	simm.s32 $0x9;
	_ =	strace $0x80000048  }
0xb3: {  	_ =	swait.ge [sflag:s29], $0x1  }
0xb4: {  	[sflag:s29] =	ssyncadd.s32 $0xFFFFFFFF  }
0xb5: {  	_ =	strace $0x90000048  }
0xb6: {  	_ =	sfence  }
0xb7: {  	s30 =	sld [smem:$0x0];
	_ =	sdelay $0x2  }
0xb8: {  	s31 =	sshll.u32 s1, $0xD;
	s1 =	sshrl.u32 s1, $0x2  }
0xb9: {  	s3 =	sand.u32 $0x4000, s31;
	s1 =	sadd.s32 s1, s30  }
0xba: {  	s0 =	sor.u32 s3, s0;
	s1 =	sshll.u32 s1, $0x11  }
0xbb: {  	s0 =	sor.u32 s1, s0  }
0xbc: {  	s0 =	sadd.s32 $0x8F2B, s0  }
0xbd: {  	[sflag:s0] =	ssyncadd.remote.s32 $0x1  }
0xbe: {  	_ =	sfence.sel $0xFFFF  }
0xbf: {  	[dreg:$0x0] =	wrdreg $0xFFFFFFFF;
	(pc) =	sbr.abs _section_cstart, $3  }
0xc0: {  	[dreg:$0x1] =	wrdreg $0xFFFFFFFF  }
0xc1: {  	_ =	task.clear_ibuf [dreg:s7], $0x2FFFF;
	_ =	strace $0x9FFFFFFF  }
0xc2: {  	(tm) =	ssettm $0x7FFFFFFF  }
0xc3: {  	_ =	shalt  }
tec
execute0_lowered:
.L_overlay_start_1:
0x0: {  	(tag) =	ssettag $0x1  }
0x1: {  	s4 =	rddreg [dreg:$0x0];
	s1 =	srdreg.scid  }
0x2: {  	s0 =	stileid.u32;
	s2 =	rddreg [dreg:$0x1]  }
0x3: {  	s3 =	simm.s32 $0x0;
	s9 =	simm.s32 $0x80;
	s10 =	simm.s32 $0x1000  }
0x4: {  	s11 =	simm.s32 $0x5;
	s12 =	simm.s32 $0x6400;
	s13 =	simm.s32 $0x8400  }
0x5: {  	s14 =	simm.s32 $0x1;
	s15 =	simm.s32 $0xA400;
	s16 =	simm.s32 $0x2  }
0x6: {  	s17 =	simm.s32 $0x4;
	s18 =	simm.s32 $0xC800;
	s19 =	simm.s32 $0x3  }
0x7: {  	s20 =	simm.s32 $0x0;
	s5 =	sand.u32 $0x1, s1;
	s1 =	rddreg [dreg:$0x2]  }
.Ltmp0:
0x8: {  	s6 =	sshll.u32 s0, $0x1;
	[smem:$0x7FF] =	sst s3;
	(pc) =	sbr.rel .LBB2_1-.Ltmp0, $4  }
0x9: {  	v0 =	vlaneseq.u32;
	s6 =	sor.u32 s5, s6;
	s5 =	ssub.s32 $0x2, s5;
	_ =	strace $0x80000047  }
0xa: {  	v0 =	vmul.u32 $0x90, v0;
	s7 =	sshll.u32 s6, $0x4;
	s8 =	sshrl.u32 s5, $0x1;
	s6 =	sshll.u32 s6, $0x7  }
0xb: {  	s7 =	sadd.s32 s7, s4;
	s4 =	sadd.s32 $0xF42A00, s4;
	s8 =	ssub.s32 s5, s8  }
0xc: {  	v1 =	vadd.s32 $0x900, v0;
	v2 =	vadd.s32 $0x1200, v0;
	v3 =	vadd.s32 $0x1B00, v0;
	s5 =	sadd.s32 $0x600, s7;
	s7 =	sadd.s32 $0x8000, s2;
	s8 =	smax.u32 s8, $0x1  }
.LBB2_16:
0xd: {  	s20 =	sadd.s32 $0x1, s20  }
0xe: {  	_ =	swait.ge [sflag:s19], $0x2000;
	p0 =	sne.s32 s20, s8  }
.Ltmp1:
0xf: {  	[sflag:s19] =	ssyncset.done $0x0;
	(pc) =	sbr.rel @!p0 .LBB2_17-.Ltmp1, $4  }
0x10: {  	[sflag:s19] =	ssyncadd.s32 $0xFFFFE000  }
0x11: {  	_ =	swait.ge [sflag:s17], $0x2000  }
0x12: {  	[sflag:s17] =	ssyncset.done $0x0  }
0x13: {  	[sflag:s17] =	ssyncadd.s32 $0xFFFFE000  }
.LBB2_1:
0x14: {  	[tilespmem:s3], [sflag:$0x5] =	stream.strided.gather [hbm4b:s5+s9], $0x6400, s10, s9, $0x38;
	[tilespmem:$0xEC00] =	vst v63  }
0x15: {  	_ =	swait.ge [sflag:s11], $0x6400  }
0x16: {  	[sflag:s11] =	ssyncset.done $0x0  }
0x17: {  	[sflag:s11] =	ssyncadd.s32 $0xFFFF9C00  }
0x18: {  	[tilespmem:s12], [sflag:$0x1] =	stream.indirect.gather [hbm4b:s4+s9], $0x40, s3, s9, $0xb8;
	[tilespmem:$0xEC00] =	vst v63  }
0x19: {  	s21 =	simm.s32 $0x0  }
0x1a: {  	[tilespmem:s13], [sflag:$0x2] =	stream.indirect.gather [hbm4b:s4+s9], $0x40, s9, s9, $0xb8;
	[tilespmem:$0xEC00] =	vst v63  }
.LBB2_2:
0x1b: {  	_ =	swait.ge [sflag:s14], $0x2000  }
0x1c: {  	p0 =	seq.s32 s21, $0x0;
	[sflag:s14] =	ssyncset.done $0x0  }
0x1d: {  	s22 =	simm.s32 @!p0 $0x3;
	[sflag:s14] =	ssyncadd.s32 $0xFFFFE000  }
0x1e: {  	s23 =	simm.s32 $0x3;
	_ =	swait.ge @!p0 [sflag:s22], $0x2000  }
0x1f: {  	s25 =	simm.s32 $0x0;
	v4 =	vmov s23;
	[sflag:s22] =	ssyncset.done @!p0 $0x0  }
0x20: {  	s26 =	simm.s32 $0x1;
	s23 =	simm.s32 $0x6480;
	v5 =	vand.u32 $0x7F, v4;
	v4 =	vmov s25;
	[sflag:s22] =	ssyncadd.s32 @!p0 $0xFFFFE000  }
0x21: {  	v8 =	vadd.s32 v0, v5;
	v6 =	vand.u32 $0x7C, v4;
	v4 =	vmov s26;
	v7 =	vld [tilespmem:s23+$0x40]  }
0x22: {  	v10 =	vadd.s32 v0, v6;
	v11 =	vand.u32 $0x7D, v4;
	v9 =	vld [tilespmem:s23+$0xFFFFFF80]  }
0x23: {  	s28 =	simm.s32 $0x2;
	v12 =	vadd.s32 v0, v11;
	v4 =	vld [tilespmem:s23+$0xFFFFFFC0]  }
0x24: {  	v13 =	vmov s28  }
0x25: {  	v13 =	vand.u32 $0x7E, v13  }
0x26: {  	v15 =	vadd.s32 v0, v13;
	v14 =	vld [tilespmem:s23+$0x0];
	[tilespmem:v8+s15+$0x0] =	vst.idx.msk $0xffff, v7  }
0x27: {  	v8 =	vadd.s32 v1, v5;
	[tilespmem:v10+s15+$0x0] =	vst.idx.msk $0xffff, v9;
	v7 =	vld [tilespmem:s23+$0x50]  }
0x28: {  	v10 =	vadd.s32 v1, v6;
	[tilespmem:v12+s15+$0x0] =	vst.idx.msk $0xffff, v4;
	v9 =	vld [tilespmem:s23+$0xFFFFFF90]  }
0x29: {  	v12 =	vadd.s32 v1, v11;
	v4 =	vld [tilespmem:s23+$0xFFFFFFD0];
	_ =	sdelay $0x1  }
0x2a: {  	[tilespmem:v15+s15+$0x0] =	vst.idx.msk $0xffff, v14  }
0x2b: {  	v16 =	vadd.s32 v1, v13;
	v15 =	vld [tilespmem:s23+$0x10];
	[tilespmem:v8+s15+$0x0] =	vst.idx.msk $0xffff, v7  }
0x2c: {  	s29 =	simm.s32 $0x7;
	v14 =	vadd.s32 v2, v5;
	[tilespmem:v10+s15+$0x0] =	vst.idx.msk $0xffff, v9;
	v7 =	vld [tilespmem:s23+$0x60]  }
0x2d: {  	v10 =	vadd.s32 v2, v6;
	v8 =	vmov s29;
	[tilespmem:v12+s15+$0x0] =	vst.idx.msk $0xffff, v4;
	v9 =	vld [tilespmem:s23+$0xFFFFFFA0]  }
0x2e: {  	v17 =	vadd.s32 v2, v11;
	s22 =	simm.s32 $0x6580;
	v8 =	vand.u32 $0x7F, v8;
	v12 =	vld [tilespmem:s23+$0xFFFFFFE0]  }
0x2f: {  	s24 =	simm.s32 $0x4;
	v18 =	vld [tilespmem:s22+$0x40];
	v19 =	vadd.s32 v0, v8  }
0x30: {  	s30 =	simm.s32 $0x5;
	v4 =	vmov s24;
	[tilespmem:v16+s15+$0x0] =	vst.idx.msk $0xffff, v15  }
0x31: {  	v22 =	vmov s30;
	v4 =	vand.u32 $0x7C, v4;
	[tilespmem:v14+s15+$0x0] =	vst.idx.msk $0xffff, v7  }
0x32: {  	s31 =	simm.s32 $0x6;
	v20 =	vld [tilespmem:s22+$0xFFFFFF80];
	v21 =	vadd.s32 v0, v4;
	v7 =	vand.u32 $0x7D, v22;
	[tilespmem:v10+s15+$0x0] =	vst.idx.msk $0xffff, v9  }
0x33: {  	v14 =	vmov s31;
	v9 =	vld [tilespmem:s22+$0xFFFFFFC0];
	[tilespmem:v17+s15+$0x0] =	vst.idx.msk $0xffff, v12;
	v10 =	vadd.s32 v0, v7  }
0x34: {  	v16 =	vadd.s32 v3, v5;
	v12 =	vld [tilespmem:s23+$0x20];
	v5 =	vand.u32 $0x7E, v14;
	[tilespmem:v19+s15+$0x0] =	vst.idx.msk $0xffff, v18;
	v18 =	vadd.s32 v2, v13  }
0x35: {  	v14 =	vld [tilespmem:s22+$0x0];
	v63 =	vadd.s32 v0, v5  }
0x36: {  	v15 =	vld [tilespmem:s23+$0x70]  }
0x37: {  	[tilespmem:v21+s15+$0x0] =	vst.idx.msk $0xffff, v20;
	v20 =	vadd.s32 v1, v8;
	v19 =	vld [tilespmem:s22+$0x50]  }
0x38: {  	v23 =	vadd.s32 v1, v4;
	v21 =	vld [tilespmem:s22+$0xFFFFFF90];
	[tilespmem:v10+s15+$0x0] =	vst.idx.msk $0xffff, v9  }
0x39: {  	v25 =	vadd.s32 v3, v11;
	v24 =	vld [tilespmem:s23+$0xFFFFFFF0];
	[tilespmem:v18+s15+$0x0] =	vst.idx.msk $0xffff, v12  }
0x3a: {  	v18 =	vadd.s32 v1, v7;
	v17 =	vld [tilespmem:s22+$0xFFFFFFD0];
	[tilespmem:v63+s15+$0x0] =	vst.idx.msk $0xffff, v14  }
0x3b: {  	[tilespmem:v16+s15+$0x0] =	vst.idx.msk $0xffff, v15;
	v16 =	vadd.s32 v1, v5;
	v15 =	vld [tilespmem:s22+$0x10]  }
0x3c: {  	[tilespmem:v20+s15+$0x0] =	vst.idx.msk $0xffff, v19;
	v11 =	vld [tilespmem:s23+$0x30];
	v14 =	vadd.s32 v3, v13  }
0x3d: {  	v12 =	vadd.s32 v2, v8;
	[tilespmem:v23+s15+$0x0] =	vst.idx.msk $0xffff, v21;
	v9 =	vld [tilespmem:s22+$0x60]  }
0x3e: {  	s25 =	simm.s32 $0xC;
	s26 =	simm.s32 $0xB;
	s24 =	simm.s32 $0x8;
	[tilespmem:v25+s15+$0x0] =	vst.idx.msk $0xffff, v24;
	v13 =	vadd.s32 v2, v4;
	v10 =	vld [tilespmem:s22+$0xFFFFFFA0]  }
.LBB2_3:
0x3f: {  	p1 =	slt.u32 s25, $0x7C;
	v19 =	vmov s26;
	[tilespmem:v18+s15+$0x0] =	vst.idx.msk $0xffff, v17;
	v17 =	vld [tilespmem:s23+$0xFFFFFFB0];
	v18 =	vadd.s32 v3, v6;
	v6 =	vmov v4;
	s23 =	smov.u32 s22  }
0x40: {  	v4 =	vmov s24;
	v21 =	vadd.s32 v2, v7;
	s22 =	sadd.s32 $0x100, s22;
	v19 =	vand.u32 $0x7F, v19;
	v20 =	vld [tilespmem:s23+$0xFFFFFFE0];
	[tilespmem:v16+s15+$0x0] =	vst.idx.msk $0xffff, v15  }
0x41: {  	s26 =	sadd.s32 $0x1, s24;
	v4 =	vand.u32 $0x7C, v4;
	v15 =	vld [tilespmem:s22+$0x40];
	v16 =	vadd.s32 v0, v19;
	[tilespmem:v14+s15+$0x0] =	vst.idx.msk $0xffff, v11  }
0x42: {  	v22 =	vmov s26;
	s26 =	sadd.s32 $0x2, s24;
	s24 =	smov.u32 s25;
	v14 =	vadd.s32 v0, v4;
	v11 =	vld [tilespmem:s22+$0xFFFFFF80];
	[tilespmem:v12+s15+$0x0] =	vst.idx.msk $0xffff, v9  }
0x43: {  	v9 =	vand.u32 $0x7D, v22;
	v12 =	vmov s26;
	[tilespmem:v13+s15+$0x0] =	vst.idx.msk $0xffff, v10;
	v10 =	vld [tilespmem:s23+$0x70];
	v13 =	vadd.s32 v3, v8;
	v8 =	vmovc v19  }
0x44: {  	v22 =	vadd.s32 v0, v9;
	v12 =	vand.u32 $0x7E, v12;
	v19 =	vld [tilespmem:s22+$0xFFFFFFC0];
	[tilespmem:v18+s15+$0x0] =	vst.idx.msk $0xffff, v17  }
0x45: {  	v24 =	vadd.s32 v0, v12;
	v23 =	vld [tilespmem:s22+$0x0];
	[tilespmem:v21+s15+$0x0] =	vst.idx.msk $0xffff, v20  }
0x46: {  	v21 =	vadd.s32 v2, v5;
	[tilespmem:v16+s15+$0x0] =	vst.idx.msk $0xffff, v15;
	v20 =	vld [tilespmem:s23+$0x20]  }
0x47: {  	[tilespmem:v14+s15+$0x0] =	vst.idx.msk $0xffff, v11;
	v11 =	vld [tilespmem:s22+$0x50];
	v14 =	vadd.s32 v1, v8  }
0x48: {  	v26 =	vadd.s32 v1, v4;
	v25 =	vld [tilespmem:s22+$0xFFFFFF90];
	[tilespmem:v13+s15+$0x0] =	vst.idx.msk $0xffff, v10  }
0x49: {  	[tilespmem:v22+s15+$0x0] =	vst.idx.msk $0xffff, v19;
	v19 =	vld [tilespmem:s23+$0xFFFFFFF0];
	v22 =	vadd.s32 v3, v7;
	v7 =	vmov v9  }
.Ltmp2:
0x4a: {  	v17 =	vld [tilespmem:s22+$0xFFFFFFD0];
	v18 =	vadd.s32 v1, v7;
	[tilespmem:v24+s15+$0x0] =	vst.idx.msk $0xffff, v23;
	(pc) =	sbr.rel @p1 .LBB2_3-.Ltmp2, $4  }
0x4b: {  	v16 =	vadd.s32 v1, v12;
	v15 =	vld [tilespmem:s22+$0x10];
	[tilespmem:v21+s15+$0x0] =	vst.idx.msk $0xffff, v20  }
0x4c: {  	[tilespmem:v14+s15+$0x0] =	vst.idx.msk $0xffff, v11;
	v11 =	vld [tilespmem:s23+$0x30];
	v14 =	vadd.s32 v3, v5;
	v5 =	vmov v12  }
0x4d: {  	v12 =	vadd.s32 v2, v8;
	[tilespmem:v26+s15+$0x0] =	vst.idx.msk $0xffff, v25;
	v9 =	vld [tilespmem:s22+$0x60]  }
0x4e: {  	s25 =	sadd.s32 $0x4, s25;
	s26 =	sadd.s32 $0x3, s24;
	v13 =	vadd.s32 v2, v4;
	v10 =	vld [tilespmem:s22+$0xFFFFFFA0];
	[tilespmem:v22+s15+$0x0] =	vst.idx.msk $0xffff, v19  }
0x4f: {  	_ =	sdelay $0x2  }
0x50: {  	v19 =	vmov s26  }
0x51: {  	s25 =	sadd.s32 $0x1, s24;
	[tilespmem:v18+s15+$0x0] =	vst.idx.msk $0xffff, v17;
	v30 =	vld [tilespmem:s23+$0xFFFFFFB0];
	v6 =	vadd.s32 v3, v6;
	s30 =	sadd.s32 $0x100, s22;
	v21 =	vmov s24;
	v31 =	vand.u32 $0x7F, v19  }
0x52: {  	s31 =	sadd.s32 $0x2, s24;
	v32 =	vmov s25;
	[tilespmem:v16+s15+$0x0] =	vst.idx.msk $0xffff, v15;
	v33 =	vld [tilespmem:s30+$0x40];
	v21 =	vand.u32 $0x7C, v21;
	v34 =	vadd.s32 v0, v31  }
0x53: {  	v20 =	vmov s31;
	v22 =	vld [tilespmem:s30+$0xFFFFFF80];
	v19 =	vand.u32 $0x7D, v32;
	[tilespmem:v14+s15+$0x0] =	vst.idx.msk $0xffff, v11;
	v39 =	vadd.s32 v0, v21  }
0x54: {  	v35 =	vld [tilespmem:s30+$0xFFFFFFC0];
	v20 =	vand.u32 $0x7E, v20;
	v36 =	vadd.s32 v0, v19;
	[tilespmem:v12+s15+$0x0] =	vst.idx.msk $0xffff, v9  }
0x55: {  	v37 =	vld [tilespmem:s30+$0x0];
	v38 =	vadd.s32 v0, v20;
	[tilespmem:v13+s15+$0x0] =	vst.idx.msk $0xffff, v10  }
0x56: {  	v41 =	vadd.s32 v2, v7;
	v40 =	vld [tilespmem:s22+$0xFFFFFFE0];
	[tilespmem:v6+s15+$0x0] =	vst.idx.msk $0xffff, v30  }
0x57: {  	v49 =	vadd.s32 v2, v5;
	v48 =	vld [tilespmem:s22+$0x20];
	[tilespmem:v34+s15+$0x0] =	vst.idx.msk $0xffff, v33  }
0x58: {  	v43 =	vadd.s32 v1, v31;
	[tilespmem:v39+s15+$0x0] =	vst.idx.msk $0xffff, v22;
	v15 =	vld [tilespmem:s30+$0x50]  }
0x59: {  	v47 =	vadd.s32 v1, v21;
	[tilespmem:v36+s15+$0x0] =	vst.idx.msk $0xffff, v35;
	v46 =	vld [tilespmem:s30+$0xFFFFFF90]  }
0x5a: {  	v44 =	vadd.s32 v1, v19;
	[tilespmem:v38+s15+$0x0] =	vst.idx.msk $0xffff, v37;
	v11 =	vld [tilespmem:s30+$0xFFFFFFD0]  }
0x5b: {  	v45 =	vadd.s32 v1, v20;
	[tilespmem:v41+s15+$0x0] =	vst.idx.msk $0xffff, v40;
	v9 =	vld [tilespmem:s30+$0x10]  }
0x5c: {  	v8 =	vadd.s32 v3, v8;
	v42 =	vld [tilespmem:s22+$0x70];
	[tilespmem:v49+s15+$0x0] =	vst.idx.msk $0xffff, v48  }
0x5d: {  	v5 =	vadd.s32 v3, v5;
	v13 =	vld [tilespmem:s22+$0x30];
	[tilespmem:v43+s15+$0x0] =	vst.idx.msk $0xffff, v15  }
0x5e: {  	v52 =	vadd.s32 v2, v31;
	[tilespmem:v47+s15+$0x0] =	vst.idx.msk $0xffff, v46;
	v15 =	vld [tilespmem:s30+$0x60]  }
0x5f: {  	v57 =	vadd.s32 v2, v21;
	[tilespmem:v44+s15+$0x0] =	vst.idx.msk $0xffff, v11;
	v56 =	vld [tilespmem:s30+$0xFFFFFFA0]  }
0x60: {  	v53 =	vadd.s32 v2, v19;
	[tilespmem:v45+s15+$0x0] =	vst.idx.msk $0xffff, v9;
	v11 =	vld [tilespmem:s30+$0xFFFFFFE0]  }
0x61: {  	v55 =	vadd.s32 v2, v20;
	[tilespmem:v8+s15+$0x0] =	vst.idx.msk $0xffff, v42;
	v54 =	vld [tilespmem:s30+$0x20]  }
0x62: {  	v4 =	vadd.s32 v3, v4;
	v58 =	vld [tilespmem:s22+$0xFFFFFFB0];
	[tilespmem:v5+s15+$0x0] =	vst.idx.msk $0xffff, v13  }
0x63: {  	v51 =	vadd.s32 v3, v7;
	v50 =	vld [tilespmem:s22+$0xFFFFFFF0];
	[tilespmem:v52+s15+$0x0] =	vst.idx.msk $0xffff, v15  }
0x64: {  	v60 =	vadd.s32 v3, v31;
	[tilespmem:v57+s15+$0x0] =	vst.idx.msk $0xffff, v56;
	v59 =	vld [tilespmem:s30+$0x70]  }
0x65: {  	v63 =	vadd.s32 v3, v21;
	[tilespmem:v53+s15+$0x0] =	vst.idx.msk $0xffff, v11;
	v5 =	vld [tilespmem:s30+$0xFFFFFFB0]  }
0x66: {  	v61 =	vadd.s32 v3, v19;
	[tilespmem:v55+s15+$0x0] =	vst.idx.msk $0xffff, v54;
	v11 =	vld [tilespmem:s30+$0xFFFFFFF0]  }
0x67: {  	v62 =	vadd.s32 v3, v20;
	[tilespmem:v4+s15+$0x0] =	vst.idx.msk $0xffff, v58;
	v6 =	vld [tilespmem:s30+$0x30]  }
0x68: {  	[tilespmem:v51+s15+$0x0] =	vst.idx.msk $0xffff, v50  }
0x69: {  	[tilespmem:v60+s15+$0x0] =	vst.idx.msk $0xffff, v59  }
0x6a: {  	s24 =	sshll.u32 s21, $0x10;
	[tilespmem:v63+s15+$0x0] =	vst.idx.msk $0xffff, v5  }
0x6b: {  	s22 =	sor.u32 s6, s24;
	[tilespmem:v61+s15+$0x0] =	vst.idx.msk $0xffff, v11  }
0x6c: {  	s25 =	simm.s32 $0xA400;
	s24 =	sadd.s32 s2, s22;
	[tilespmem:v62+s15+$0x0] =	vst.idx.msk $0xffff, v6  }
0x6d: {  	[hbm4b:s24+s3] =	stream.linear.scatter [tilespmem:s25], [sflag:$0x3], $0x80, $0x38;
	[tilespmem:$0xEC00] =	vst v63  }
0x6e: {  	s26 =	simm.s32 $0xA490;
	s29 =	sadd.s32 $0x10, s24  }
0x6f: {  	[hbm4b:s29+s3] =	stream.linear.scatter [tilespmem:s26], [sflag:$0x3], $0x80, $0x38;
	[tilespmem:$0xEC00] =	vst v63  }
0x70: {  	s23 =	simm.s32 $0x480;
	s31 =	sadd.s32 $0x20, s24;
	s30 =	simm.s32 $0xA520  }
0x71: {  	[hbm4b:s31+s3] =	stream.linear.scatter [tilespmem:s30], [sflag:$0x3], $0x80, $0x38;
	[tilespmem:$0xEC00] =	vst v63  }
0x72: {  	s28 =	sadd.s32 $0x70, s24;
	s26 =	simm.s32 $0xA5B0;
	s29 =	sadd.s32 $0x30, s24  }
0x73: {  	[hbm4b:s29+s3] =	stream.linear.scatter [tilespmem:s26], [sflag:$0x3], $0x80, $0x38;
	[tilespmem:$0xEC00] =	vst v63  }
0x74: {  	s25 =	simm.s32 $0x2400;
	s30 =	simm.s32 $0xA640;
	s31 =	sadd.s32 $0x40, s24  }
0x75: {  	[hbm4b:s31+s3] =	stream.linear.scatter [tilespmem:s30], [sflag:$0x3], $0x80, $0x38;
	[tilespmem:$0xEC00] =	vst v63  }
0x76: {  	s26 =	simm.s32 $0xA6D0;
	s29 =	sadd.s32 $0x50, s24;
	s30 =	simm.s32 $0xA760  }
0x77: {  	[hbm4b:s29+s3] =	stream.linear.scatter [tilespmem:s26], [sflag:$0x3], $0x80, $0x38;
	[tilespmem:$0xEC00] =	vst v63  }
0x78: {  	s31 =	sadd.s32 $0x60, s24;
	s24 =	sadd.s32 $0x1000, s24;
	s26 =	simm.s32 $0xA7F0  }
0x79: {  	[hbm4b:s31+s3] =	stream.linear.scatter [tilespmem:s30], [sflag:$0x3], $0x80, $0x38;
	[tilespmem:$0xEC00] =	vst v63  }
.LBB2_5:
0x7a: {  	[hbm4b:s28+s3] =	stream.linear.scatter [tilespmem:s26], [sflag:$0x3], $0x80, $0x38;
	[tilespmem:$0xEC00] =	vst v63  }
0x7b: {  	s26 =	smov.u32 s23;
	s23 =	smov.u32 s25  }
0x7c: {  	s29 =	sadd.s32 $0x1200, s25;
	s23 =	sshra.s32 s23, $0x2;
	s28 =	sadd.s32 $0xA400, s26  }
0x7d: {  	[hbm4b:s24+s3] =	stream.linear.scatter [tilespmem:s28], [sflag:$0x3], $0x80, $0x38;
	[tilespmem:$0xEC00] =	vst v63  }
0x7e: {  	p1 =	sne.s32 s25, $0x7E00;
	s25 =	sadd.s32 $0xA490, s26;
	s28 =	sadd.s32 $0x10, s24  }
0x7f: {  	[hbm4b:s28+s3] =	stream.linear.scatter [tilespmem:s25], [sflag:$0x3], $0x80, $0x38;
	[tilespmem:$0xEC00] =	vst v63  }
0x80: {  	s25 =	sadd.s32 $0xA520, s26;
	s28 =	sadd.s32 $0x20, s24  }
0x81: {  	[hbm4b:s28+s3] =	stream.linear.scatter [tilespmem:s25], [sflag:$0x3], $0x80, $0x38;
	[tilespmem:$0xEC00] =	vst v63  }
0x82: {  	s25 =	sadd.s32 $0xA5B0, s26;
	s28 =	sadd.s32 $0x30, s24  }
0x83: {  	[hbm4b:s28+s3] =	stream.linear.scatter [tilespmem:s25], [sflag:$0x3], $0x80, $0x38;
	[tilespmem:$0xEC00] =	vst v63  }
0x84: {  	s25 =	sadd.s32 $0xA640, s26;
	s28 =	sadd.s32 $0x40, s24  }
0x85: {  	[hbm4b:s28+s3] =	stream.linear.scatter [tilespmem:s25], [sflag:$0x3], $0x80, $0x38;
	[tilespmem:$0xEC00] =	vst v63  }
.Ltmp3:
0x86: {  	s25 =	sadd.s32 $0xA6D0, s26;
	s28 =	sadd.s32 $0x50, s24;
	(pc) =	sbr.rel @p1 .LBB2_5-.Ltmp3, $4  }
0x87: {  	[hbm4b:s28+s3] =	stream.linear.scatter [tilespmem:s25], [sflag:$0x3], $0x80, $0x38;
	[tilespmem:$0xEC00] =	vst v63  }
0x88: {  	s25 =	sadd.s32 $0xA760, s26;
	s28 =	sadd.s32 $0x60, s24;
	s26 =	sadd.s32 $0xA7F0, s26  }
0x89: {  	[hbm4b:s28+s3] =	stream.linear.scatter [tilespmem:s25], [sflag:$0x3], $0x80, $0x38;
	[tilespmem:$0xEC00] =	vst v63  }
0x8a: {  	s28 =	sadd.s32 $0x70, s24;
	s24 =	sadd.s32 $0x1000, s24;
	s25 =	smov.u32 s29  }
0x8b: {  	[hbm4b:s28+s3] =	stream.linear.scatter [tilespmem:s26], [sflag:$0x3], $0x80, $0x38;
	[tilespmem:$0xEC00] =	vst v63  }
0x8c: {  	s25 =	sadd.s32 $0xA400, s23  }
0x8d: {  	[hbm4b:s24+s3] =	stream.linear.scatter [tilespmem:s25], [sflag:$0x3], $0x80, $0x38;
	[tilespmem:$0xEC00] =	vst v63  }
0x8e: {  	s30 =	sadd.s32 $0xA490, s23;
	s31 =	sadd.s32 $0x10, s24  }
0x8f: {  	[hbm4b:s31+s3] =	stream.linear.scatter [tilespmem:s30], [sflag:$0x3], $0x80, $0x38;
	[tilespmem:$0xEC00] =	vst v63  }
0x90: {  	s28 =	sadd.s32 $0xA520, s23;
	s29 =	sadd.s32 $0x20, s24  }
0x91: {  	[hbm4b:s29+s3] =	stream.linear.scatter [tilespmem:s28], [sflag:$0x3], $0x80, $0x38;
	[tilespmem:$0xEC00] =	vst v63  }
0x92: {  	s30 =	sadd.s32 $0xA5B0, s23;
	s31 =	sadd.s32 $0x30, s24  }
0x93: {  	[hbm4b:s31+s3] =	stream.linear.scatter [tilespmem:s30], [sflag:$0x3], $0x80, $0x38;
	[tilespmem:$0xEC00] =	vst v63  }
0x94: {  	s28 =	sadd.s32 $0xA640, s23;
	s29 =	sadd.s32 $0x40, s24  }
0x95: {  	[hbm4b:s29+s3] =	stream.linear.scatter [tilespmem:s28], [sflag:$0x3], $0x80, $0x38;
	[tilespmem:$0xEC00] =	vst v63  }
0x96: {  	p1 =	sne.s32 s21, $0x63;
	s30 =	sadd.s32 $0xA6D0, s23;
	s31 =	sadd.s32 $0x50, s24  }
0x97: {  	[hbm4b:s31+s3] =	stream.linear.scatter [tilespmem:s30], [sflag:$0x3], $0x80, $0x38;
	[tilespmem:$0xEC00] =	vst v63  }
.Ltmp4:
0x98: {  	_ = 	snop;
	(pc) =	sbr.rel @p1 .LBB2_8-.Ltmp4, $4  }
0x99: {  	s28 =	sadd.s32 $0xA760, s23;
	s29 =	sadd.s32 $0x60, s24  }
0x9a: {  	[hbm4b:s29+s3] =	stream.linear.scatter [tilespmem:s28], [sflag:$0x3], $0x80, $0x38;
	[tilespmem:$0xEC00] =	vst v63  }
0x9b: {  	s30 =	sadd.s32 $0xA7F0, s23;
	s31 =	sadd.s32 $0x70, s24  }
0x9c: {  	[hbm4b:s31+s3] =	stream.linear.scatter [tilespmem:s30], [sflag:$0x3], $0x80, $0x38;
	[tilespmem:$0xEC00] =	vst v63  }
.Ltmp5:
0x9d: {  	(pc) =	sbr.rel .LBB2_9-.Ltmp5, $4  }
0x9e: {  	_ = 	snop  }
0x9f: {  	_ =	swait.ge [sflag:s16], $0x2000  }
0xa0: {  	[sflag:s16] =	ssyncset.done $0x0  }
0xa1: {  	[sflag:s16] =	ssyncadd.s32 $0xFFFFE000  }
.LBB2_8:
0xa2: {  	s23 =	sshll.u32 s21, $0x8  }
0xa3: {  	s23 =	sand.u32 $0x3FFFFF00, s23  }
.Ltmp6:
0xa4: {  	s23 =	sadd.s32 $0x100, s23;
	(pc) =	sbr.rel @p0 .LBB2_10-.Ltmp6, $4  }
0xa5: {  	[tilespmem:s12], [sflag:$0x1] =	stream.indirect.gather [hbm4b:s4+s9], $0x40, s23, s9, $0xb8;
	[tilespmem:$0xEC00] =	vst v63  }
0xa6: {  	_ =	swait.ge [sflag:s16], $0x2000  }
0xa7: {  	[sflag:s16] =	ssyncset.done $0x0  }
0xa8: {  	[sflag:s16] =	ssyncadd.s32 $0xFFFFE000  }
.LBB2_9:
0xa9: {  	_ =	swait.ge [sflag:s17], $0x2000  }
0xaa: {  	[sflag:s17] =	ssyncset.done $0x0  }
0xab: {  	[sflag:s17] =	ssyncadd.s32 $0xFFFFE000  }
.LBB2_10:
0xac: {  	s23 =	simm.s32 $0x3  }
0xad: {  	s31 =	simm.s32 $0x0;
	v4 =	vmov s23  }
0xae: {  	s24 =	simm.s32 $0x8480;
	v5 =	vand.u32 $0x7F, v4;
	v4 =	vmov s31  }
0xaf: {  	s25 =	simm.s32 $0x1;
	v7 =	vld [tilespmem:s24+$0x40];
	v8 =	vadd.s32 v0, v5;
	v6 =	vand.u32 $0x7C, v4  }
0xb0: {  	v9 =	vld [tilespmem:s24+$0xFFFFFF80];
	v4 =	vmov s25;
	v10 =	vadd.s32 v0, v6  }
0xb1: {  	s26 =	simm.s32 $0x2;
	v11 =	vand.u32 $0x7D, v4  }
0xb2: {  	v13 =	vmov s26;
	v4 =	vld [tilespmem:s24+$0xFFFFFFC0];
	v12 =	vadd.s32 v0, v11  }
0xb3: {  	v13 =	vand.u32 $0x7E, v13  }
0xb4: {  	v14 =	vld [tilespmem:s24+$0x0];
	v15 =	vadd.s32 v0, v13;
	[tilespmem:v8+s18+$0x0] =	vst.idx.msk $0xffff, v7  }
0xb5: {  	v8 =	vadd.s32 v1, v5;
	v7 =	vld [tilespmem:s24+$0x50];
	[tilespmem:v10+s18+$0x0] =	vst.idx.msk $0xffff, v9  }
0xb6: {  	v10 =	vadd.s32 v1, v6;
	v9 =	vld [tilespmem:s24+$0xFFFFFF90]  }
0xb7: {  	[tilespmem:v12+s18+$0x0] =	vst.idx.msk $0xffff, v4  }
0xb8: {  	v12 =	vadd.s32 v1, v11;
	v4 =	vld [tilespmem:s24+$0xFFFFFFD0]  }
0xb9: {  	[tilespmem:v15+s18+$0x0] =	vst.idx.msk $0xffff, v14  }
0xba: {  	s29 =	simm.s32 $0x7;
	v16 =	vadd.s32 v1, v13;
	v15 =	vld [tilespmem:s24+$0x10];
	[tilespmem:v8+s18+$0x0] =	vst.idx.msk $0xffff, v7  }
0xbb: {  	v14 =	vadd.s32 v2, v5;
	v8 =	vmov s29;
	v7 =	vld [tilespmem:s24+$0x60];
	[tilespmem:v10+s18+$0x0] =	vst.idx.msk $0xffff, v9  }
0xbc: {  	s23 =	simm.s32 $0x8580;
	v10 =	vadd.s32 v2, v6;
	v8 =	vand.u32 $0x7F, v8;
	v9 =	vld [tilespmem:s24+$0xFFFFFFA0]  }
0xbd: {  	v18 =	vld [tilespmem:s23+$0x40];
	s25 =	simm.s32 $0x4;
	[tilespmem:v12+s18+$0x0] =	vst.idx.msk $0xffff, v4;
	v19 =	vadd.s32 v0, v8  }
0xbe: {  	s30 =	simm.s32 $0x5;
	v17 =	vadd.s32 v2, v11;
	v4 =	vmov s25;
	v12 =	vld [tilespmem:s24+$0xFFFFFFE0]  }
0xbf: {  	v22 =	vmov s30;
	s31 =	simm.s32 $0x6;
	[tilespmem:v16+s18+$0x0] =	vst.idx.msk $0xffff, v15;
	v4 =	vand.u32 $0x7C, v4  }
0xc0: {  	v20 =	vld [tilespmem:s23+$0xFFFFFF80];
	v21 =	vadd.s32 v0, v4;
	[tilespmem:v14+s18+$0x0] =	vst.idx.msk $0xffff, v7;
	v7 =	vand.u32 $0x7D, v22;
	v14 =	vmov s31  }
0xc1: {  	v16 =	vadd.s32 v3, v5;
	[tilespmem:v10+s18+$0x0] =	vst.idx.msk $0xffff, v9;
	v9 =	vld [tilespmem:s23+$0xFFFFFFC0];
	v10 =	vadd.s32 v0, v7;
	v5 =	vand.u32 $0x7E, v14  }
0xc2: {  	v14 =	vld [tilespmem:s23+$0x0];
	[tilespmem:v19+s18+$0x0] =	vst.idx.msk $0xffff, v18;
	v63 =	vadd.s32 v0, v5  }
0xc3: {  	v18 =	vadd.s32 v2, v13;
	[tilespmem:v17+s18+$0x0] =	vst.idx.msk $0xffff, v12;
	v12 =	vld [tilespmem:s24+$0x20]  }
0xc4: {  	v15 =	vld [tilespmem:s24+$0x70]  }
0xc5: {  	v19 =	vld [tilespmem:s23+$0x50];
	[tilespmem:v21+s18+$0x0] =	vst.idx.msk $0xffff, v20;
	v20 =	vadd.s32 v1, v8  }
0xc6: {  	v23 =	vadd.s32 v1, v4;
	v21 =	vld [tilespmem:s23+$0xFFFFFF90];
	[tilespmem:v10+s18+$0x0] =	vst.idx.msk $0xffff, v9  }
0xc7: {  	v25 =	vadd.s32 v3, v11;
	v24 =	vld [tilespmem:s24+$0xFFFFFFF0];
	[tilespmem:v63+s18+$0x0] =	vst.idx.msk $0xffff, v14  }
0xc8: {  	v17 =	vld [tilespmem:s23+$0xFFFFFFD0];
	[tilespmem:v18+s18+$0x0] =	vst.idx.msk $0xffff, v12;
	v18 =	vadd.s32 v1, v7  }
0xc9: {  	[tilespmem:v16+s18+$0x0] =	vst.idx.msk $0xffff, v15;
	v16 =	vadd.s32 v1, v5;
	v15 =	vld [tilespmem:s23+$0x10]  }
0xca: {  	v14 =	vadd.s32 v3, v13;
	[tilespmem:v20+s18+$0x0] =	vst.idx.msk $0xffff, v19;
	v11 =	vld [tilespmem:s24+$0x30]  }
0xcb: {  	v12 =	vadd.s32 v2, v8;
	[tilespmem:v23+s18+$0x0] =	vst.idx.msk $0xffff, v21;
	v9 =	vld [tilespmem:s23+$0x60]  }
0xcc: {  	s28 =	simm.s32 $0xB;
	s26 =	simm.s32 $0xC;
	s25 =	simm.s32 $0x8;
	v13 =	vadd.s32 v2, v4;
	[tilespmem:v25+s18+$0x0] =	vst.idx.msk $0xffff, v24;
	v10 =	vld [tilespmem:s23+$0xFFFFFFA0]  }
.LBB2_11:
0xcd: {  	p0 =	slt.u32 s26, $0x7C;
	v19 =	vmov s28;
	[tilespmem:v18+s18+$0x0] =	vst.idx.msk $0xffff, v17;
	v17 =	vld [tilespmem:s24+$0xFFFFFFB0];
	v18 =	vadd.s32 v3, v6;
	v6 =	vmov v4;
	s24 =	smov.u32 s23  }
0xce: {  	v4 =	vmov s25;
	v21 =	vadd.s32 v2, v7;
	s23 =	sadd.s32 $0x100, s23;
	v19 =	vand.u32 $0x7F, v19;
	v20 =	vld [tilespmem:s24+$0xFFFFFFE0];
	[tilespmem:v16+s18+$0x0] =	vst.idx.msk $0xffff, v15  }
0xcf: {  	s28 =	sadd.s32 $0x1, s25;
	v4 =	vand.u32 $0x7C, v4;
	v15 =	vld [tilespmem:s23+$0x40];
	v16 =	vadd.s32 v0, v19;
	[tilespmem:v14+s18+$0x0] =	vst.idx.msk $0xffff, v11  }
0xd0: {  	v22 =	vmov s28;
	s28 =	sadd.s32 $0x2, s25;
	s25 =	smov.u32 s26;
	v14 =	vadd.s32 v0, v4;
	v11 =	vld [tilespmem:s23+$0xFFFFFF80];
	[tilespmem:v12+s18+$0x0] =	vst.idx.msk $0xffff, v9  }
0xd1: {  	v9 =	vand.u32 $0x7D, v22;
	v12 =	vmov s28;
	[tilespmem:v13+s18+$0x0] =	vst.idx.msk $0xffff, v10;
	v10 =	vld [tilespmem:s24+$0x70];
	v13 =	vadd.s32 v3, v8;
	v8 =	vmovc v19  }
0xd2: {  	v22 =	vadd.s32 v0, v9;
	v12 =	vand.u32 $0x7E, v12;
	v19 =	vld [tilespmem:s23+$0xFFFFFFC0];
	[tilespmem:v18+s18+$0x0] =	vst.idx.msk $0xffff, v17  }
0xd3: {  	v24 =	vadd.s32 v0, v12;
	v23 =	vld [tilespmem:s23+$0x0];
	[tilespmem:v21+s18+$0x0] =	vst.idx.msk $0xffff, v20  }
0xd4: {  	v21 =	vadd.s32 v2, v5;
	[tilespmem:v16+s18+$0x0] =	vst.idx.msk $0xffff, v15;
	v20 =	vld [tilespmem:s24+$0x20]  }
0xd5: {  	[tilespmem:v14+s18+$0x0] =	vst.idx.msk $0xffff, v11;
	v11 =	vld [tilespmem:s23+$0x50];
	v14 =	vadd.s32 v1, v8  }
0xd6: {  	v26 =	vadd.s32 v1, v4;
	v25 =	vld [tilespmem:s23+$0xFFFFFF90];
	[tilespmem:v13+s18+$0x0] =	vst.idx.msk $0xffff, v10  }
0xd7: {  	[tilespmem:v22+s18+$0x0] =	vst.idx.msk $0xffff, v19;
	v19 =	vld [tilespmem:s24+$0xFFFFFFF0];
	v22 =	vadd.s32 v3, v7;
	v7 =	vmov v9  }
.Ltmp7:
0xd8: {  	v17 =	vld [tilespmem:s23+$0xFFFFFFD0];
	v18 =	vadd.s32 v1, v7;
	[tilespmem:v24+s18+$0x0] =	vst.idx.msk $0xffff, v23;
	(pc) =	sbr.rel @p0 .LBB2_11-.Ltmp7, $4  }
0xd9: {  	v16 =	vadd.s32 v1, v12;
	v15 =	vld [tilespmem:s23+$0x10];
	[tilespmem:v21+s18+$0x0] =	vst.idx.msk $0xffff, v20  }
0xda: {  	[tilespmem:v14+s18+$0x0] =	vst.idx.msk $0xffff, v11;
	v11 =	vld [tilespmem:s24+$0x30];
	v14 =	vadd.s32 v3, v5;
	v5 =	vmov v12  }
0xdb: {  	v12 =	vadd.s32 v2, v8;
	[tilespmem:v26+s18+$0x0] =	vst.idx.msk $0xffff, v25;
	v9 =	vld [tilespmem:s23+$0x60]  }
0xdc: {  	s26 =	sadd.s32 $0x4, s26;
	s28 =	sadd.s32 $0x3, s25;
	v13 =	vadd.s32 v2, v4;
	v10 =	vld [tilespmem:s23+$0xFFFFFFA0];
	[tilespmem:v22+s18+$0x0] =	vst.idx.msk $0xffff, v19  }
0xdd: {  	_ =	sdelay $0x2  }
0xde: {  	v19 =	vmov s28  }
0xdf: {  	s26 =	sadd.s32 $0x1, s25;
	[tilespmem:v18+s18+$0x0] =	vst.idx.msk $0xffff, v17;
	v30 =	vld [tilespmem:s24+$0xFFFFFFB0];
	v6 =	vadd.s32 v3, v6;
	s30 =	sadd.s32 $0x100, s23;
	v21 =	vmov s25;
	v31 =	vand.u32 $0x7F, v19  }
0xe0: {  	s31 =	sadd.s32 $0x2, s25;
	v32 =	vmov s26;
	[tilespmem:v16+s18+$0x0] =	vst.idx.msk $0xffff, v15;
	v33 =	vld [tilespmem:s30+$0x40];
	v21 =	vand.u32 $0x7C, v21;
	v34 =	vadd.s32 v0, v31  }
0xe1: {  	v20 =	vmov s31;
	v22 =	vld [tilespmem:s30+$0xFFFFFF80];
	v19 =	vand.u32 $0x7D, v32;
	[tilespmem:v14+s18+$0x0] =	vst.idx.msk $0xffff, v11;
	v39 =	vadd.s32 v0, v21  }
0xe2: {  	v35 =	vld [tilespmem:s30+$0xFFFFFFC0];
	v20 =	vand.u32 $0x7E, v20;
	v36 =	vadd.s32 v0, v19;
	[tilespmem:v12+s18+$0x0] =	vst.idx.msk $0xffff, v9  }
0xe3: {  	v37 =	vld [tilespmem:s30+$0x0];
	v38 =	vadd.s32 v0, v20;
	[tilespmem:v13+s18+$0x0] =	vst.idx.msk $0xffff, v10  }
0xe4: {  	v41 =	vadd.s32 v2, v7;
	v40 =	vld [tilespmem:s23+$0xFFFFFFE0];
	[tilespmem:v6+s18+$0x0] =	vst.idx.msk $0xffff, v30  }
0xe5: {  	v49 =	vadd.s32 v2, v5;
	v48 =	vld [tilespmem:s23+$0x20];
	[tilespmem:v34+s18+$0x0] =	vst.idx.msk $0xffff, v33  }
0xe6: {  	v43 =	vadd.s32 v1, v31;
	[tilespmem:v39+s18+$0x0] =	vst.idx.msk $0xffff, v22;
	v15 =	vld [tilespmem:s30+$0x50]  }
0xe7: {  	v47 =	vadd.s32 v1, v21;
	[tilespmem:v36+s18+$0x0] =	vst.idx.msk $0xffff, v35;
	v46 =	vld [tilespmem:s30+$0xFFFFFF90]  }
0xe8: {  	v44 =	vadd.s32 v1, v19;
	[tilespmem:v38+s18+$0x0] =	vst.idx.msk $0xffff, v37;
	v11 =	vld [tilespmem:s30+$0xFFFFFFD0]  }
0xe9: {  	v45 =	vadd.s32 v1, v20;
	[tilespmem:v41+s18+$0x0] =	vst.idx.msk $0xffff, v40;
	v9 =	vld [tilespmem:s30+$0x10]  }
0xea: {  	v8 =	vadd.s32 v3, v8;
	v42 =	vld [tilespmem:s23+$0x70];
	[tilespmem:v49+s18+$0x0] =	vst.idx.msk $0xffff, v48  }
0xeb: {  	v5 =	vadd.s32 v3, v5;
	v13 =	vld [tilespmem:s23+$0x30];
	[tilespmem:v43+s18+$0x0] =	vst.idx.msk $0xffff, v15  }
0xec: {  	v52 =	vadd.s32 v2, v31;
	[tilespmem:v47+s18+$0x0] =	vst.idx.msk $0xffff, v46;
	v15 =	vld [tilespmem:s30+$0x60]  }
0xed: {  	v57 =	vadd.s32 v2, v21;
	[tilespmem:v44+s18+$0x0] =	vst.idx.msk $0xffff, v11;
	v56 =	vld [tilespmem:s30+$0xFFFFFFA0]  }
0xee: {  	v53 =	vadd.s32 v2, v19;
	[tilespmem:v45+s18+$0x0] =	vst.idx.msk $0xffff, v9;
	v11 =	vld [tilespmem:s30+$0xFFFFFFE0]  }
0xef: {  	v55 =	vadd.s32 v2, v20;
	[tilespmem:v8+s18+$0x0] =	vst.idx.msk $0xffff, v42;
	v54 =	vld [tilespmem:s30+$0x20]  }
0xf0: {  	v4 =	vadd.s32 v3, v4;
	v58 =	vld [tilespmem:s23+$0xFFFFFFB0];
	[tilespmem:v5+s18+$0x0] =	vst.idx.msk $0xffff, v13  }
0xf1: {  	v51 =	vadd.s32 v3, v7;
	v50 =	vld [tilespmem:s23+$0xFFFFFFF0];
	[tilespmem:v52+s18+$0x0] =	vst.idx.msk $0xffff, v15  }
0xf2: {  	v60 =	vadd.s32 v3, v31;
	[tilespmem:v57+s18+$0x0] =	vst.idx.msk $0xffff, v56;
	v59 =	vld [tilespmem:s30+$0x70]  }
0xf3: {  	v63 =	vadd.s32 v3, v21;
	[tilespmem:v53+s18+$0x0] =	vst.idx.msk $0xffff, v11;
	v5 =	vld [tilespmem:s30+$0xFFFFFFB0]  }
0xf4: {  	v61 =	vadd.s32 v3, v19;
	[tilespmem:v55+s18+$0x0] =	vst.idx.msk $0xffff, v54;
	v11 =	vld [tilespmem:s30+$0xFFFFFFF0]  }
0xf5: {  	v62 =	vadd.s32 v3, v20;
	[tilespmem:v4+s18+$0x0] =	vst.idx.msk $0xffff, v58;
	v6 =	vld [tilespmem:s30+$0x30]  }
0xf6: {  	[tilespmem:v51+s18+$0x0] =	vst.idx.msk $0xffff, v50  }
0xf7: {  	[tilespmem:v60+s18+$0x0] =	vst.idx.msk $0xffff, v59  }
0xf8: {  	[tilespmem:v63+s18+$0x0] =	vst.idx.msk $0xffff, v5  }
0xf9: {  	[tilespmem:v61+s18+$0x0] =	vst.idx.msk $0xffff, v11  }
0xfa: {  	s24 =	simm.s32 $0xC800;
	s23 =	sadd.s32 s22, s7;
	[tilespmem:v62+s18+$0x0] =	vst.idx.msk $0xffff, v6  }
0xfb: {  	[hbm4b:s23+s3] =	stream.linear.scatter [tilespmem:s24], [sflag:$0x4], $0x80, $0x38;
	[tilespmem:$0xEC00] =	vst v63  }
0xfc: {  	s25 =	simm.s32 $0xC890;
	s26 =	sadd.s32 $0x10, s23  }
0xfd: {  	[hbm4b:s26+s3] =	stream.linear.scatter [tilespmem:s25], [sflag:$0x4], $0x80, $0x38;
	[tilespmem:$0xEC00] =	vst v63  }
0xfe: {  	s28 =	simm.s32 $0xC920;
	s22 =	simm.s32 $0x480;
	s29 =	sadd.s32 $0x20, s23  }
0xff: {  	[hbm4b:s29+s3] =	stream.linear.scatter [tilespmem:s28], [sflag:$0x4], $0x80, $0x38;
	[tilespmem:$0xEC00] =	vst v63  }
0x100: {  	s31 =	sadd.s32 $0x30, s23;
	s30 =	simm.s32 $0xC9B0;
	s24 =	simm.s32 $0x2400  }
0x101: {  	[hbm4b:s31+s3] =	stream.linear.scatter [tilespmem:s30], [sflag:$0x4], $0x80, $0x38;
	[tilespmem:$0xEC00] =	vst v63  }
0x102: {  	s25 =	simm.s32 $0xCA40;
	s26 =	sadd.s32 $0x40, s23;
	s28 =	simm.s32 $0xCAD0  }
0x103: {  	[hbm4b:s26+s3] =	stream.linear.scatter [tilespmem:s25], [sflag:$0x4], $0x80, $0x38;
	[tilespmem:$0xEC00] =	vst v63  }
0x104: {  	s29 =	sadd.s32 $0x50, s23;
	s30 =	simm.s32 $0xCB60;
	s31 =	sadd.s32 $0x60, s23  }
0x105: {  	[hbm4b:s29+s3] =	stream.linear.scatter [tilespmem:s28], [sflag:$0x4], $0x80, $0x38;
	[tilespmem:$0xEC00] =	vst v63  }
0x106: {  	s25 =	simm.s32 $0xCBF0;
	s26 =	sadd.s32 $0x70, s23;
	s23 =	sadd.s32 $0x1000, s23  }
0x107: {  	[hbm4b:s31+s3] =	stream.linear.scatter [tilespmem:s30], [sflag:$0x4], $0x80, $0x38;
	[tilespmem:$0xEC00] =	vst v63  }
.LBB2_13:
0x108: {  	[hbm4b:s26+s3] =	stream.linear.scatter [tilespmem:s25], [sflag:$0x4], $0x80, $0x38;
	[tilespmem:$0xEC00] =	vst v63  }
0x109: {  	s25 =	smov.u32 s22;
	s22 =	smov.u32 s24  }
0x10a: {  	s28 =	sadd.s32 $0x1200, s24;
	s22 =	sshra.s32 s22, $0x2;
	s26 =	sadd.s32 $0xC800, s25  }
0x10b: {  	[hbm4b:s23+s3] =	stream.linear.scatter [tilespmem:s26], [sflag:$0x4], $0x80, $0x38;
	[tilespmem:$0xEC00] =	vst v63  }
0x10c: {  	p0 =	sne.s32 s24, $0x7E00;
	s24 =	sadd.s32 $0xC890, s25;
	s26 =	sadd.s32 $0x10, s23  }
0x10d: {  	[hbm4b:s26+s3] =	stream.linear.scatter [tilespmem:s24], [sflag:$0x4], $0x80, $0x38;
	[tilespmem:$0xEC00] =	vst v63  }
0x10e: {  	s24 =	sadd.s32 $0xC920, s25;
	s26 =	sadd.s32 $0x20, s23  }
0x10f: {  	[hbm4b:s26+s3] =	stream.linear.scatter [tilespmem:s24], [sflag:$0x4], $0x80, $0x38;
	[tilespmem:$0xEC00] =	vst v63  }
0x110: {  	s24 =	sadd.s32 $0xC9B0, s25;
	s26 =	sadd.s32 $0x30, s23  }
0x111: {  	[hbm4b:s26+s3] =	stream.linear.scatter [tilespmem:s24], [sflag:$0x4], $0x80, $0x38;
	[tilespmem:$0xEC00] =	vst v63  }
0x112: {  	s24 =	sadd.s32 $0xCA40, s25;
	s26 =	sadd.s32 $0x40, s23  }
0x113: {  	[hbm4b:s26+s3] =	stream.linear.scatter [tilespmem:s24], [sflag:$0x4], $0x80, $0x38;
	[tilespmem:$0xEC00] =	vst v63  }
.Ltmp8:
0x114: {  	s24 =	sadd.s32 $0xCAD0, s25;
	s26 =	sadd.s32 $0x50, s23;
	(pc) =	sbr.rel @p0 .LBB2_13-.Ltmp8, $4  }
0x115: {  	[hbm4b:s26+s3] =	stream.linear.scatter [tilespmem:s24], [sflag:$0x4], $0x80, $0x38;
	[tilespmem:$0xEC00] =	vst v63  }
0x116: {  	s24 =	sadd.s32 $0xCB60, s25;
	s26 =	sadd.s32 $0x60, s23;
	s25 =	sadd.s32 $0xCBF0, s25  }
0x117: {  	[hbm4b:s26+s3] =	stream.linear.scatter [tilespmem:s24], [sflag:$0x4], $0x80, $0x38;
	[tilespmem:$0xEC00] =	vst v63  }
0x118: {  	s26 =	sadd.s32 $0x70, s23;
	s23 =	sadd.s32 $0x1000, s23;
	s24 =	smov.u32 s28  }
0x119: {  	[hbm4b:s26+s3] =	stream.linear.scatter [tilespmem:s25], [sflag:$0x4], $0x80, $0x38;
	[tilespmem:$0xEC00] =	vst v63  }
0x11a: {  	s24 =	sadd.s32 $0xC800, s22  }
0x11b: {  	[hbm4b:s23+s3] =	stream.linear.scatter [tilespmem:s24], [sflag:$0x4], $0x80, $0x38;
	[tilespmem:$0xEC00] =	vst v63  }
0x11c: {  	s30 =	sadd.s32 $0xC890, s22;
	s31 =	sadd.s32 $0x10, s23  }
0x11d: {  	[hbm4b:s31+s3] =	stream.linear.scatter [tilespmem:s30], [sflag:$0x4], $0x80, $0x38;
	[tilespmem:$0xEC00] =	vst v63  }
0x11e: {  	s25 =	sadd.s32 $0xC920, s22;
	s26 =	sadd.s32 $0x20, s23  }
0x11f: {  	[hbm4b:s26+s3] =	stream.linear.scatter [tilespmem:s25], [sflag:$0x4], $0x80, $0x38;
	[tilespmem:$0xEC00] =	vst v63  }
0x120: {  	s28 =	sadd.s32 $0xC9B0, s22;
	s29 =	sadd.s32 $0x30, s23  }
0x121: {  	[hbm4b:s29+s3] =	stream.linear.scatter [tilespmem:s28], [sflag:$0x4], $0x80, $0x38;
	[tilespmem:$0xEC00] =	vst v63  }
0x122: {  	s30 =	sadd.s32 $0xCA40, s22;
	s31 =	sadd.s32 $0x40, s23  }
0x123: {  	[hbm4b:s31+s3] =	stream.linear.scatter [tilespmem:s30], [sflag:$0x4], $0x80, $0x38;
	[tilespmem:$0xEC00] =	vst v63  }
0x124: {  	p0 =	seq.s32 s21, $0x63;
	s25 =	sadd.s32 $0xCAD0, s22;
	s26 =	sadd.s32 $0x50, s23  }
0x125: {  	[hbm4b:s26+s3] =	stream.linear.scatter [tilespmem:s25], [sflag:$0x4], $0x80, $0x38;
	[tilespmem:$0xEC00] =	vst v63  }
.Ltmp9:
0x126: {  	_ = 	snop;
	(pc) =	sbr.rel @p0 .LBB2_16-.Ltmp9, $4  }
0x127: {  	s28 =	sadd.s32 $0xCB60, s22;
	s29 =	sadd.s32 $0x60, s23  }
0x128: {  	[hbm4b:s29+s3] =	stream.linear.scatter [tilespmem:s28], [sflag:$0x4], $0x80, $0x38;
	[tilespmem:$0xEC00] =	vst v63  }
0x129: {  	s30 =	sadd.s32 $0xCBF0, s22;
	s31 =	sadd.s32 $0x70, s23  }
0x12a: {  	[hbm4b:s31+s3] =	stream.linear.scatter [tilespmem:s30], [sflag:$0x4], $0x80, $0x38;
	[tilespmem:$0xEC00] =	vst v63  }
.Ltmp10:
0x12b: {  	(pc) =	sbr.rel .LBB2_2-.Ltmp10, $4  }
0x12c: {  	s22 =	sshll.u32 s21, $0x8  }
0x12d: {  	s22 =	sand.u32 $0x3FFFFF00, s22  }
0x12e: {  	s21 =	sadd.s32 $0x1, s21;
	s22 =	sadd.s32 $0x180, s22  }
0x12f: {  	[tilespmem:s13], [sflag:$0x2] =	stream.indirect.gather [hbm4b:s4+s9], $0x40, s22, s9, $0xb8;
	[tilespmem:$0xEC00] =	vst v63  }
.LBB2_17:
0x130: {  	_ =	sfence.sel $0x180000  }
0x131: {  	[bflag:$0x0] =	sbarrier.arrive $0xFFFF  }
0x132: {  	p0 =	sne.s32 s0, $0x0;
	_ =	strace $0x90000047  }
0x133: {  	s0 =	sadd.s32 @!p0 $0x100000, s1;
	[bflag:$0x2] =	sbarrier.arrive $0xFFFF  }
0x134: {  	[sflag:s0] =	ssyncadd.tile.s32 @!p0 $0x1;
	_ =	shalt  }
.Lfunc_end2:
_tile_overlayer_lowered:
.L_overlay_start_2:
0x135: {  	(tag) =	ssettag $0x2  }
0x136: {  	s0 =	rddreg [dreg:$0x0];
	s2 =	stileid.u32  }
0x137: {  	s1 =	rddreg [dreg:$0x1];
	p0 =	sne.s32 s2, $0x0  }
0x138: {  	s3 =	rddreg [dreg:$0x2];
	[bflag:$0x3] =	sbarrier.arrive $0xFFFF;
	s2 =	simm.s32 @!p0 $0x1C05  }
0x139: {  	[timem:s3], [sflag:s2] =	dma.local @!p0 [hbm:s0], s1  }
0x13a: {  	s0 =	simm.s32 @!p0 $0x5  }
0x13b: {  	_ =	swait.ge @!p0 [sflag:s0], s1  }
0x13c: {  	s1 =	ssub.s32 @!p0 $0x0, s1;
	[sflag:s0] =	ssyncset.done @!p0 $0x0  }
0x13d: {  	[sflag:s0] =	ssyncadd.s32 @!p0 s1  }
0x13e: {  	[bflag:$0x3] =	sbarrier.arrive $0xFFFF  }
0x13f: {  	_ =	shalt  }

</sc_bundles>
